<compile_context>
chip_gen: v7x
topology: tpu7x:2x2x1
jax: 0.10.2.dev20260603
libtpu: 0.0.44.dev20260713+nightly
codegen_flags: <defaults>
</compile_context>

<pallas_src>
import functools

import jax
import jax.numpy as jnp
from jax.experimental import pallas as pl
from jax.experimental.pallas import tpu as pltpu
from jax.experimental.pallas import tpu_sc as plsc

NUM_BUCKETS = 32
MAX_DISTANCE = 128
NUM_HEADS = 16
QLEN = 2048
KLEN = 2048
TAB = 4096


def _table_body(off_ref, emb_ref, tab_ref):
    off = off_ref[0]
    j = jax.lax.broadcasted_iota(jnp.int32, (1, TAB), 1)
    rel_pos = j - (QLEN - 1) + off
    nn = -rel_pos
    half = NUM_BUCKETS // 2
    ret_hi = jnp.where(nn < 0, half, 0)
    na = jnp.abs(nn)
    max_exact = half // 2
    is_small = na < max_exact
    eps = jnp.finfo(jnp.float32).eps
    val_if_large = max_exact + (
        jnp.log(na.astype(jnp.float32) / max_exact + eps)
        / jnp.log(MAX_DISTANCE / max_exact)
        * (half - max_exact)
    ).astype(jnp.int32)
    val_if_large = jnp.minimum(val_if_large, half - 1)
    bucket = ret_hi + jnp.where(is_small, na, val_if_large)
    rowid = jax.lax.broadcasted_iota(jnp.int32, (NUM_BUCKETS, TAB), 0)
    onehot = (bucket == rowid).astype(jnp.float32)
    tab_ref[...] = jnp.dot(
        emb_ref[...], onehot, preferred_element_type=jnp.float32
    )


def _build_table(off, emb):
    return pl.pallas_call(
        _table_body,
        out_shape=jax.ShapeDtypeStruct((NUM_HEADS, TAB), jnp.float32),
        in_specs=[
            pl.BlockSpec(memory_space=pltpu.SMEM),
            pl.BlockSpec(memory_space=pltpu.VMEM),
        ],
        out_specs=pl.BlockSpec(memory_space=pltpu.VMEM),
    )(off, emb)


_ROWS = NUM_HEADS * QLEN
_ROWS_PER_TEC = _ROWS // 32
_BLOCKS_PER_TEC = _ROWS_PER_TEC // 8


def _sc_expand(table):
    mesh = plsc.VectorSubcoreMesh(core_axis_name="c", subcore_axis_name="s")

    @functools.partial(
        pl.kernel,
        mesh=mesh,
        out_type=jax.ShapeDtypeStruct((_ROWS, KLEN), jnp.float32),
        scratch_types=[
            pltpu.VMEM((TAB,), jnp.float32),
            pltpu.VMEM((3, 8, KLEN), jnp.float32),
            pltpu.SemaphoreType.DMA,
        ],
    )
    def body(tab_hbm, out_hbm, tab_v, stg_v, sem):
        c = jax.lax.axis_index("c")
        s = jax.lax.axis_index("s")
        wid = c * 16 + s
        head = wid // 2
        pltpu.sync_copy(tab_hbm.at[head], tab_v)
        base = wid * _ROWS_PER_TEC
        q_base = jax.lax.rem(base, QLEN)

        def fill(b, q0):
            toffs = []
            for sub in range(8):
                o = (QLEN - 1) - (q0 + sub)
                toffs.append(o)

            @plsc.parallel_loop(0, KLEN // 16, unroll=4)
            def cp(t):
                for sub in range(8):
                    src = toffs[sub] + t * 16
                    stg_v[b, sub, pl.ds(t * 16, 16)] = tab_v[pl.ds(src, 16)]

        def drain():
            pltpu.make_async_copy(
                stg_v.at[0], out_hbm.at[pl.ds(0, 8), :], sem
            ).wait()

        def chunk(g, carry):
            for b in range(3):
                blk = g * 3 + b

                @pl.when(blk < _BLOCKS_PER_TEC)
                def _(b=b, blk=blk):
                    @pl.when(g > 0)
                    def _():
                        drain()

                    fill(b, q_base + blk * 8)
                    r0 = pl.multiple_of(base + blk * 8, 8)
                    pltpu.async_copy(
                        stg_v.at[b], out_hbm.at[pl.ds(r0, 8), :], sem
                    )
            return carry

        jax.lax.fori_loop(0, (_BLOCKS_PER_TEC + 2) // 3, chunk, 0)
        drain()
        drain()
        drain()

    return body(table)


def kernel(qlen, klen, rel_embedding):
    emb = jnp.asarray(rel_embedding, jnp.float32)
    off = (jnp.asarray(klen, jnp.int32) - jnp.asarray(qlen, jnp.int32)).reshape(1)
    table = _build_table(off, emb)
    out = _sc_expand(table)
    return out.reshape(1, NUM_HEADS, QLEN, KLEN)

# --- scband reference (transcript-rebuilt; emitter-appended) ---
"""Pipeline reference for scband-relative-position-biases-73839077753297 (READ-ONLY COPY).

The authoritative reference and input builder live on the scoring server;
editing this copy changes nothing except your own understanding.
"""

import jax, jax.numpy as jnp
import numpy as np

NUM_BUCKETS = 32
MAX_DISTANCE = 128
NUM_HEADS = 16
QLEN = 2048
KLEN = 2048


def _relative_position_bucket(relative_position, bidirectional=True, num_buckets=32, max_distance=128):
    ret = 0
    n = -relative_position
    if bidirectional:
        num_buckets //= 2
        ret += (n < 0).astype(jnp.int32) * num_buckets
        n = jnp.abs(n)
    else:
        n = jnp.maximum(n, 0)
    max_exact = num_buckets // 2
    is_small = n < max_exact
    eps = jnp.finfo(jnp.float32).eps
    val_if_large = max_exact + (
        jnp.log(n.astype(jnp.float32) / max_exact + eps)
        / jnp.log(max_distance / max_exact)
        * (num_buckets - max_exact)
    ).astype(jnp.int32)
    val_if_large = jnp.minimum(val_if_large, num_buckets - 1)
    ret += jnp.where(is_small, n, val_if_large)
    return ret


def setup_inputs(seed: int = 0) -> dict:
    key = jax.random.key(seed)
    # T5-style default embed init: variance-scaling fan_in normal ~ normal/sqrt(num_buckets)
    rel_embedding = (
        jax.random.normal(key, (NUM_HEADS, NUM_BUCKETS), dtype=jnp.float32)
        / np.sqrt(NUM_BUCKETS)
    )
    return {"qlen": 2048, "klen": 2048, "rel_embedding": rel_embedding}


def reference(qlen, klen, rel_embedding):
    qlen_offset = jnp.asarray(qlen, jnp.int32) - QLEN
    klen_offset = jnp.asarray(klen, jnp.int32) - KLEN
    context_position = (jnp.arange(QLEN, dtype=jnp.int32) + qlen_offset)[:, None]
    memory_position = (jnp.arange(KLEN, dtype=jnp.int32) + klen_offset)[None, :]
    relative_position = memory_position - context_position
    rp_bucket = _relative_position_bucket(
        relative_position,
        bidirectional=True,
        num_buckets=NUM_BUCKETS,
        max_distance=MAX_DISTANCE,
    )
    relative_attention_bias = jnp.asarray(rel_embedding, jnp.float32)
    bcast_iota = jax.lax.broadcasted_iota(jnp.int32, (NUM_BUCKETS, 1, 1), 0)
    rp_bucket_one_hot = jnp.array(
        rp_bucket[jnp.newaxis, ...] == bcast_iota, dtype=jnp.float32
    )
    values = jax.lax.dot_general(
        relative_attention_bias, rp_bucket_one_hot, (((1,), (0,)), ((), ()))
    )
    out = values[jnp.newaxis, ...]
    return out

if __name__ == "__main__":
    import jax
    _d = setup_inputs()
    print(jax.jit(kernel)(*tuple(_d.values())))

</pallas_src>

<mosaic_0001>
#map = affine_map<(d0, d1) -> (0, 0)>
module attributes {stable_mosaic.version = 14 : i64} {
  func.func @body(%arg0: i32, %arg1: i32, %arg2: memref<16x4096xf32, #tpu.memory_space<hbm>>, %arg3: memref<32768x2048xf32, #tpu.memory_space<hbm>>, %arg4: memref<4096xf32, #tpu.memory_space<vmem>>, %arg5: memref<3x8x2048xf32, #tpu.memory_space<vmem>>, %arg6: memref<!tpu.dma_semaphore, #tpu.memory_space<semaphore_mem>>) attributes {dimension_semantics = [#tpu.dimension_semantics<core_parallel>, #tpu.dimension_semantics<subcore_parallel>], iteration_bounds = array<i64: 2, 16>, scalar_prefetch = 0 : i64, scratch_operands = 3 : i64, tpu.core_type = #tpu.core_type<sc_vector_subcore>, window_params = [{transform_indices = #map}, {transform_indices = #map}]} {
    %mul3A = arith.constant 16 : i32
    %mul3A_0 = arith.muli %arg0, %mul3A : i32
    %add3A = arith.addi %mul3A_0, %arg1 : i32
    %jit3A = arith.constant 2 : i32
    %div3A = arith.divsi %add3A, %jit3A : i32
    %sign3A = arith.constant 0 : i32
    %sign3A_1 = arith.cmpi sgt, %add3A, %sign3A : i32
    %sign3A_2 = arith.extui %sign3A_1 : i1 to i32
    %sign3A_3 = arith.constant 0 : i32
    %sign3A_4 = arith.cmpi slt, %add3A, %sign3A_3 : i32
    %sign3A_5 = arith.extui %sign3A_4 : i1 to i32
    %sign3A_6 = arith.subi %sign3A_2, %sign3A_5 : i32
    %sign3A_7 = arith.constant 0 : i32
    %sign3A_8 = arith.cmpi sgt, %jit3A, %sign3A_7 : i32
    %sign3A_9 = arith.extui %sign3A_8 : i1 to i32
    %sign3A_10 = arith.constant 0 : i32
    %sign3A_11 = arith.cmpi slt, %jit3A, %sign3A_10 : i32
    %sign3A_12 = arith.extui %sign3A_11 : i1 to i32
    %sign3A_13 = arith.subi %sign3A_9, %sign3A_12 : i32
    %ne3A = arith.cmpi ne, %sign3A_6, %sign3A_13 : i32
    %rem3A = arith.remsi %add3A, %jit3A : i32
    %ne3A_14 = arith.constant 0 : i32
    %ne3A_15 = arith.cmpi ne, %rem3A, %ne3A_14 : i32
    %and3A = arith.andi %ne3A, %ne3A_15 : i1
    %sub3A = arith.constant 1 : i32
    %sub3A_16 = arith.subi %div3A, %sub3A : i32
    %select_n3A = arith.select %and3A, %sub3A_16, %div3A : i32
    "tpu.region"() ({
      %run_scoped3A = tpu.sem_alloc : memref<!tpu.dma_semaphore, #tpu.memory_space<semaphore_mem>>
      %dma_start3A = arith.constant 0 : i32
      %dma_start3A_70 = tpu.memref_slice %arg2[%select_n3A, %dma_start3A] : memref<16x4096xf32, #tpu.memory_space<hbm>> -> memref<1x4096xf32, #tpu.memory_space<hbm>>
      %dma_start3A_71 = tpu.memref_squeeze %dma_start3A_70 : memref<1x4096xf32, #tpu.memory_space<hbm>> -> memref<4096xf32, #tpu.memory_space<hbm>>
      %dma_start3A_72 = arith.constant 0 : i32
      %dma_start3A_73 = tpu.memref_slice %arg2[%select_n3A, %dma_start3A_72] : memref<16x4096xf32, #tpu.memory_space<hbm>> -> memref<1x4096xf32, #tpu.memory_space<hbm>>
      %dma_start3A_74 = tpu.memref_squeeze %dma_start3A_73 : memref<1x4096xf32, #tpu.memory_space<hbm>> -> memref<4096xf32, #tpu.memory_space<hbm>>
      tpu.enqueue_dma source(%dma_start3A_74 : memref<4096xf32, #tpu.memory_space<hbm>>) target(%arg4 : memref<4096xf32, #tpu.memory_space<vmem>>) target_semaphore(%run_scoped3A : memref<!tpu.dma_semaphore, #tpu.memory_space<semaphore_mem>>)
      %dma_wait3A_75 = arith.constant 0 : i32
      %dma_wait3A_76 = tpu.memref_slice %arg2[%select_n3A, %dma_wait3A_75] : memref<16x4096xf32, #tpu.memory_space<hbm>> -> memref<1x4096xf32, #tpu.memory_space<hbm>>
      %dma_wait3A_77 = tpu.memref_squeeze %dma_wait3A_76 : memref<1x4096xf32, #tpu.memory_space<hbm>> -> memref<4096xf32, #tpu.memory_space<hbm>>
      %dma_wait3A_78 = arith.constant 0 : i32
      %dma_wait3A_79 = tpu.memref_slice %arg2[%select_n3A, %dma_wait3A_78] : memref<16x4096xf32, #tpu.memory_space<hbm>> -> memref<1x4096xf32, #tpu.memory_space<hbm>>
      %dma_wait3A_80 = tpu.memref_squeeze %dma_wait3A_79 : memref<1x4096xf32, #tpu.memory_space<hbm>> -> memref<4096xf32, #tpu.memory_space<hbm>>
      tpu.wait_dma2 semaphore(%run_scoped3A : memref<!tpu.dma_semaphore, #tpu.memory_space<semaphore_mem>>) src(%dma_wait3A_80 : memref<4096xf32, #tpu.memory_space<hbm>>) dst(%arg4 : memref<4096xf32, #tpu.memory_space<vmem>>)
      tpu.yield
    }) : () -> ()
    %mul3A_17 = arith.constant 1024 : i32
    %mul3A_18 = arith.muli %add3A, %mul3A_17 : i32
    %rem3A_19 = arith.constant 2048 : i32
    %rem3A_20 = arith.remsi %mul3A_18, %rem3A_19 : i32
    %scan3A = arith.constant 0 : i32
    %scan3A_21 = arith.constant 0 : i32
    %scan3A_22 = arith.constant 43 : i32
    %scan3A_23 = arith.addi %scan3A_21, %scan3A_22 : i32
    %scan3A_24 = arith.constant 1 : i32
    scf.for %scan3A_70 = %scan3A_21 to %scan3A_23 step %scan3A_24  : i32 {
      %mul3A_71 = arith.constant 3 : i32
      %mul3A_72 = arith.muli %scan3A_70, %mul3A_71 : i32
      %add3A_73 = arith.constant 0 : i32
      %add3A_74 = arith.addi %mul3A_72, %add3A_73 : i32
      %lt3A = arith.constant 128 : i32
      %lt3A_75 = arith.cmpi slt, %add3A_74, %lt3A : i32
      %convert_element_type3A = arith.extui %lt3A_75 : i1 to i32
      %cond3A = arith.constant 0 : i32
      %cond3A_76 = arith.cmpi ne, %convert_element_type3A, %cond3A : i32
      scf.if %cond3A_76 {
        %gt3A = arith.constant 0 : i32
        %gt3A_95 = arith.cmpi sgt, %scan3A_70, %gt3A : i32
        %convert_element_type3A_96 = arith.extui %gt3A_95 : i1 to i32
        %cond3A_97 = arith.constant 0 : i32
        %cond3A_98 = arith.cmpi ne, %convert_element_type3A_96, %cond3A_97 : i32
        scf.if %cond3A_98 {
          %dma_wait3A_151 = arith.constant 0 : i32
          %dma_wait3A_152 = arith.constant 0 : i32
          %dma_wait3A_153 = arith.constant 0 : i32
          %dma_wait3A_154 = tpu.memref_slice %arg5[%dma_wait3A_151, %dma_wait3A_152, %dma_wait3A_153] : memref<3x8x2048xf32, #tpu.memory_space<vmem>> -> memref<1x8x2048xf32, #tpu.memory_space<vmem>>
          %dma_wait3A_155 = tpu.memref_squeeze %dma_wait3A_154 : memref<1x8x2048xf32, #tpu.memory_space<vmem>> -> memref<8x2048xf32, #tpu.memory_space<vmem>>
          %dma_wait3A_156 = arith.constant 0 : i32
          %dma_wait3A_157 = arith.constant 0 : i32
          %dma_wait3A_158 = tpu.memref_slice %arg3[%dma_wait3A_156, %dma_wait3A_157] : memref<32768x2048xf32, #tpu.memory_space<hbm>> -> memref<8x2048xf32, #tpu.memory_space<hbm>>
          %dma_wait3A_159 = arith.constant 0 : i32
          %dma_wait3A_160 = arith.constant 0 : i32
          %dma_wait3A_161 = tpu.memref_slice %arg3[%dma_wait3A_159, %dma_wait3A_160] : memref<32768x2048xf32, #tpu.memory_space<hbm>> -> memref<8x2048xf32, #tpu.memory_space<hbm>>
          %dma_wait3A_162 = arith.constant 0 : i32
          %dma_wait3A_163 = arith.constant 0 : i32
          %dma_wait3A_164 = tpu.memref_slice %arg5[%dma_wait3A_151, %dma_wait3A_162, %dma_wait3A_163] : memref<3x8x2048xf32, #tpu.memory_space<vmem>> -> memref<1x8x2048xf32, #tpu.memory_space<vmem>>
          %dma_wait3A_165 = tpu.memref_squeeze %dma_wait3A_164 : memref<1x8x2048xf32, #tpu.memory_space<vmem>> -> memref<8x2048xf32, #tpu.memory_space<vmem>>
          tpu.wait_dma2 semaphore(%arg6 : memref<!tpu.dma_semaphore, #tpu.memory_space<semaphore_mem>>) src(%dma_wait3A_165 : memref<8x2048xf32, #tpu.memory_space<vmem>>) dst(%dma_wait3A_161 : memref<8x2048xf32, #tpu.memory_space<hbm>>)
        } else {
        }
        %mul3A_99 = arith.constant 8 : i32
        %mul3A_100 = arith.muli %add3A_74, %mul3A_99 : i32
        %add3A_101 = arith.addi %rem3A_20, %mul3A_100 : i32
        %add3A_102 = arith.constant 0 : i32
        %add3A_103 = arith.addi %add3A_101, %add3A_102 : i32
        %sub3A_104 = arith.constant 2047 : i32
        %sub3A_105 = arith.subi %sub3A_104, %add3A_103 : i32
        %add3A_106 = arith.constant 1 : i32
        %add3A_107 = arith.addi %add3A_101, %add3A_106 : i32
        %sub3A_108 = arith.constant 2047 : i32
        %sub3A_109 = arith.subi %sub3A_108, %add3A_107 : i32
        %add3A_110 = arith.constant 2 : i32
        %add3A_111 = arith.addi %add3A_101, %add3A_110 : i32
        %sub3A_112 = arith.constant 2047 : i32
        %sub3A_113 = arith.subi %sub3A_112, %add3A_111 : i32
        %add3A_114 = arith.constant 3 : i32
        %add3A_115 = arith.addi %add3A_101, %add3A_114 : i32
        %sub3A_116 = arith.constant 2047 : i32
        %sub3A_117 = arith.subi %sub3A_116, %add3A_115 : i32
        %add3A_118 = arith.constant 4 : i32
        %add3A_119 = arith.addi %add3A_101, %add3A_118 : i32
        %sub3A_120 = arith.constant 2047 : i32
        %sub3A_121 = arith.subi %sub3A_120, %add3A_119 : i32
        %add3A_122 = arith.constant 5 : i32
        %add3A_123 = arith.addi %add3A_101, %add3A_122 : i32
        %sub3A_124 = arith.constant 2047 : i32
        %sub3A_125 = arith.subi %sub3A_124, %add3A_123 : i32
        %add3A_126 = arith.constant 6 : i32
        %add3A_127 = arith.addi %add3A_101, %add3A_126 : i32
        %sub3A_128 = arith.constant 2047 : i32
        %sub3A_129 = arith.subi %sub3A_128, %add3A_127 : i32
        %add3A_130 = arith.constant 7 : i32
        %add3A_131 = arith.addi %add3A_101, %add3A_130 : i32
        %sub3A_132 = arith.constant 2047 : i32
        %sub3A_133 = arith.subi %sub3A_132, %add3A_131 : i32
        %parallel_loop3A = arith.constant 0 : i32
        %parallel_loop3A_134 = arith.constant 128 : i32
        %parallel_loop3A_135 = arith.constant 1 : i32
        scf.for %parallel_loop3A_151 = %parallel_loop3A to %parallel_loop3A_134 step %parallel_loop3A_135  : i32 {
          %parallel_loop3A_152 = arith.constant 16 : i32
          %parallel_loop3A_153 = arith.muli %parallel_loop3A_151, %parallel_loop3A_152 : i32
          %parallel_loop3A_154 = arith.addi %sub3A_105, %parallel_loop3A_153 : i32
          %parallel_loop3A_155 = arith.index_cast %parallel_loop3A_154 : i32 to index
          %parallel_loop3A_156 = tpu.vector_load %arg4[%parallel_loop3A_155] {strides = array<i32>} : memref<4096xf32, #tpu.memory_space<vmem>>, vector<16xf32>,
          %parallel_loop3A_157 = vector.shape_cast %parallel_loop3A_156 : vector<16xf32> to vector<16xf32>
          %parallel_loop3A_158 = arith.constant 16 : i32
          %parallel_loop3A_159 = arith.muli %parallel_loop3A_151, %parallel_loop3A_158 : i32
          %parallel_loop3A_160 = arith.constant 0 : i32
          %parallel_loop3A_161 = arith.constant 0 : i32
          %parallel_loop3A_162 = arith.index_cast %parallel_loop3A_160 : i32 to index
          %parallel_loop3A_163 = arith.index_cast %parallel_loop3A_161 : i32 to index
          %parallel_loop3A_164 = arith.index_cast %parallel_loop3A_159 : i32 to index
          %parallel_loop3A_165 = tpu.vector_load %arg5[%parallel_loop3A_162, %parallel_loop3A_163, %parallel_loop3A_164] {strides = array<i32>} : memref<3x8x2048xf32, #tpu.memory_space<vmem>>, vector<1x1x16xf32>,
          %parallel_loop3A_166 = vector.shape_cast %parallel_loop3A_165 : vector<1x1x16xf32> to vector<16xf32>
          %parallel_loop3A_167 = vector.shape_cast %parallel_loop3A_157 : vector<16xf32> to vector<1x1x16xf32>
          tpu.vector_store %arg5[%parallel_loop3A_162, %parallel_loop3A_163, %parallel_loop3A_164], %parallel_loop3A_167 {strides = array<i32>} : memref<3x8x2048xf32, #tpu.memory_space<vmem>>, vector<1x1x16xf32>,
          %parallel_loop3A_168 = arith.constant 16 : i32
          %parallel_loop3A_169 = arith.muli %parallel_loop3A_151, %parallel_loop3A_168 : i32
          %parallel_loop3A_170 = arith.addi %sub3A_109, %parallel_loop3A_169 : i32
          %parallel_loop3A_171 = arith.index_cast %parallel_loop3A_170 : i32 to index
          %parallel_loop3A_172 = tpu.vector_load %arg4[%parallel_loop3A_171] {strides = array<i32>} : memref<4096xf32, #tpu.memory_space<vmem>>, vector<16xf32>,
          %parallel_loop3A_173 = vector.shape_cast %parallel_loop3A_172 : vector<16xf32> to vector<16xf32>
          %parallel_loop3A_174 = arith.constant 16 : i32
          %parallel_loop3A_175 = arith.muli %parallel_loop3A_151, %parallel_loop3A_174 : i32
          %parallel_loop3A_176 = arith.constant 0 : i32
          %parallel_loop3A_177 = arith.constant 1 : i32
          %parallel_loop3A_178 = arith.index_cast %parallel_loop3A_176 : i32 to index
          %parallel_loop3A_179 = arith.index_cast %parallel_loop3A_177 : i32 to index
          %parallel_loop3A_180 = arith.index_cast %parallel_loop3A_175 : i32 to index
          %parallel_loop3A_181 = tpu.vector_load %arg5[%parallel_loop3A_178, %parallel_loop3A_179, %parallel_loop3A_180] {strides = array<i32>} : memref<3x8x2048xf32, #tpu.memory_space<vmem>>, vector<1x1x16xf32>,
          %parallel_loop3A_182 = vector.shape_cast %parallel_loop3A_181 : vector<1x1x16xf32> to vector<16xf32>
          %parallel_loop3A_183 = vector.shape_cast %parallel_loop3A_173 : vector<16xf32> to vector<1x1x16xf32>
          tpu.vector_store %arg5[%parallel_loop3A_178, %parallel_loop3A_179, %parallel_loop3A_180], %parallel_loop3A_183 {strides = array<i32>} : memref<3x8x2048xf32, #tpu.memory_space<vmem>>, vector<1x1x16xf32>,
          %parallel_loop3A_184 = arith.constant 16 : i32
          %parallel_loop3A_185 = arith.muli %parallel_loop3A_151, %parallel_loop3A_184 : i32
          %parallel_loop3A_186 = arith.addi %sub3A_113, %parallel_loop3A_185 : i32
          %parallel_loop3A_187 = arith.index_cast %parallel_loop3A_186 : i32 to index
          %parallel_loop3A_188 = tpu.vector_load %arg4[%parallel_loop3A_187] {strides = array<i32>} : memref<4096xf32, #tpu.memory_space<vmem>>, vector<16xf32>,
          %parallel_loop3A_189 = vector.shape_cast %parallel_loop3A_188 : vector<16xf32> to vector<16xf32>
          %parallel_loop3A_190 = arith.constant 16 : i32
          %parallel_loop3A_191 = arith.muli %parallel_loop3A_151, %parallel_loop3A_190 : i32
          %parallel_loop3A_192 = arith.constant 0 : i32
          %parallel_loop3A_193 = arith.constant 2 : i32
          %parallel_loop3A_194 = arith.index_cast %parallel_loop3A_192 : i32 to index
          %parallel_loop3A_195 = arith.index_cast %parallel_loop3A_193 : i32 to index
          %parallel_loop3A_196 = arith.index_cast %parallel_loop3A_191 : i32 to index
          %parallel_loop3A_197 = tpu.vector_load %arg5[%parallel_loop3A_194, %parallel_loop3A_195, %parallel_loop3A_196] {strides = array<i32>} : memref<3x8x2048xf32, #tpu.memory_space<vmem>>, vector<1x1x16xf32>,
          %parallel_loop3A_198 = vector.shape_cast %parallel_loop3A_197 : vector<1x1x16xf32> to vector<16xf32>
          %parallel_loop3A_199 = vector.shape_cast %parallel_loop3A_189 : vector<16xf32> to vector<1x1x16xf32>
          tpu.vector_store %arg5[%parallel_loop3A_194, %parallel_loop3A_195, %parallel_loop3A_196], %parallel_loop3A_199 {strides = array<i32>} : memref<3x8x2048xf32, #tpu.memory_space<vmem>>, vector<1x1x16xf32>,
          %parallel_loop3A_200 = arith.constant 16 : i32
          %parallel_loop3A_201 = arith.muli %parallel_loop3A_151, %parallel_loop3A_200 : i32
          %parallel_loop3A_202 = arith.addi %sub3A_117, %parallel_loop3A_201 : i32
          %parallel_loop3A_203 = arith.index_cast %parallel_loop3A_202 : i32 to index
          %parallel_loop3A_204 = tpu.vector_load %arg4[%parallel_loop3A_203] {strides = array<i32>} : memref<4096xf32, #tpu.memory_space<vmem>>, vector<16xf32>,
          %parallel_loop3A_205 = vector.shape_cast %parallel_loop3A_204 : vector<16xf32> to vector<16xf32>
          %parallel_loop3A_206 = arith.constant 16 : i32
          %parallel_loop3A_207 = arith.muli %parallel_loop3A_151, %parallel_loop3A_206 : i32
          %parallel_loop3A_208 = arith.constant 0 : i32
          %parallel_loop3A_209 = arith.constant 3 : i32
          %parallel_loop3A_210 = arith.index_cast %parallel_loop3A_208 : i32 to index
          %parallel_loop3A_211 = arith.index_cast %parallel_loop3A_209 : i32 to index
          %parallel_loop3A_212 = arith.index_cast %parallel_loop3A_207 : i32 to index
          %parallel_loop3A_213 = tpu.vector_load %arg5[%parallel_loop3A_210, %parallel_loop3A_211, %parallel_loop3A_212] {strides = array<i32>} : memref<3x8x2048xf32, #tpu.memory_space<vmem>>, vector<1x1x16xf32>,
          %parallel_loop3A_214 = vector.shape_cast %parallel_loop3A_213 : vector<1x1x16xf32> to vector<16xf32>
          %parallel_loop3A_215 = vector.shape_cast %parallel_loop3A_205 : vector<16xf32> to vector<1x1x16xf32>
          tpu.vector_store %arg5[%parallel_loop3A_210, %parallel_loop3A_211, %parallel_loop3A_212], %parallel_loop3A_215 {strides = array<i32>} : memref<3x8x2048xf32, #tpu.memory_space<vmem>>, vector<1x1x16xf32>,
          %parallel_loop3A_216 = arith.constant 16 : i32
          %parallel_loop3A_217 = arith.muli %parallel_loop3A_151, %parallel_loop3A_216 : i32
          %parallel_loop3A_218 = arith.addi %sub3A_121, %parallel_loop3A_217 : i32
          %parallel_loop3A_219 = arith.index_cast %parallel_loop3A_218 : i32 to index
          %parallel_loop3A_220 = tpu.vector_load %arg4[%parallel_loop3A_219] {strides = array<i32>} : memref<4096xf32, #tpu.memory_space<vmem>>, vector<16xf32>,
          %parallel_loop3A_221 = vector.shape_cast %parallel_loop3A_220 : vector<16xf32> to vector<16xf32>
          %parallel_loop3A_222 = arith.constant 16 : i32
          %parallel_loop3A_223 = arith.muli %parallel_loop3A_151, %parallel_loop3A_222 : i32
          %parallel_loop3A_224 = arith.constant 0 : i32
          %parallel_loop3A_225 = arith.constant 4 : i32
          %parallel_loop3A_226 = arith.index_cast %parallel_loop3A_224 : i32 to index
          %parallel_loop3A_227 = arith.index_cast %parallel_loop3A_225 : i32 to index
          %parallel_loop3A_228 = arith.index_cast %parallel_loop3A_223 : i32 to index
          %parallel_loop3A_229 = tpu.vector_load %arg5[%parallel_loop3A_226, %parallel_loop3A_227, %parallel_loop3A_228] {strides = array<i32>} : memref<3x8x2048xf32, #tpu.memory_space<vmem>>, vector<1x1x16xf32>,
          %parallel_loop3A_230 = vector.shape_cast %parallel_loop3A_229 : vector<1x1x16xf32> to vector<16xf32>
          %parallel_loop3A_231 = vector.shape_cast %parallel_loop3A_221 : vector<16xf32> to vector<1x1x16xf32>
          tpu.vector_store %arg5[%parallel_loop3A_226, %parallel_loop3A_227, %parallel_loop3A_228], %parallel_loop3A_231 {strides = array<i32>} : memref<3x8x2048xf32, #tpu.memory_space<vmem>>, vector<1x1x16xf32>,
          %parallel_loop3A_232 = arith.constant 16 : i32
          %parallel_loop3A_233 = arith.muli %parallel_loop3A_151, %parallel_loop3A_232 : i32
          %parallel_loop3A_234 = arith.addi %sub3A_125, %parallel_loop3A_233 : i32
          %parallel_loop3A_235 = arith.index_cast %parallel_loop3A_234 : i32 to index
          %parallel_loop3A_236 = tpu.vector_load %arg4[%parallel_loop3A_235] {strides = array<i32>} : memref<4096xf32, #tpu.memory_space<vmem>>, vector<16xf32>,
          %parallel_loop3A_237 = vector.shape_cast %parallel_loop3A_236 : vector<16xf32> to vector<16xf32>
          %parallel_loop3A_238 = arith.constant 16 : i32
          %parallel_loop3A_239 = arith.muli %parallel_loop3A_151, %parallel_loop3A_238 : i32
          %parallel_loop3A_240 = arith.constant 0 : i32
          %parallel_loop3A_241 = arith.constant 5 : i32
          %parallel_loop3A_242 = arith.index_cast %parallel_loop3A_240 : i32 to index
          %parallel_loop3A_243 = arith.index_cast %parallel_loop3A_241 : i32 to index
          %parallel_loop3A_244 = arith.index_cast %parallel_loop3A_239 : i32 to index
          %parallel_loop3A_245 = tpu.vector_load %arg5[%parallel_loop3A_242, %parallel_loop3A_243, %parallel_loop3A_244] {strides = array<i32>} : memref<3x8x2048xf32, #tpu.memory_space<vmem>>, vector<1x1x16xf32>,
          %parallel_loop3A_246 = vector.shape_cast %parallel_loop3A_245 : vector<1x1x16xf32> to vector<16xf32>
          %parallel_loop3A_247 = vector.shape_cast %parallel_loop3A_237 : vector<16xf32> to vector<1x1x16xf32>
          tpu.vector_store %arg5[%parallel_loop3A_242, %parallel_loop3A_243, %parallel_loop3A_244], %parallel_loop3A_247 {strides = array<i32>} : memref<3x8x2048xf32, #tpu.memory_space<vmem>>, vector<1x1x16xf32>,
          %parallel_loop3A_248 = arith.constant 16 : i32
          %parallel_loop3A_249 = arith.muli %parallel_loop3A_151, %parallel_loop3A_248 : i32
          %parallel_loop3A_250 = arith.addi %sub3A_129, %parallel_loop3A_249 : i32
          %parallel_loop3A_251 = arith.index_cast %parallel_loop3A_250 : i32 to index
          %parallel_loop3A_252 = tpu.vector_load %arg4[%parallel_loop3A_251] {strides = array<i32>} : memref<4096xf32, #tpu.memory_space<vmem>>, vector<16xf32>,
          %parallel_loop3A_253 = vector.shape_cast %parallel_loop3A_252 : vector<16xf32> to vector<16xf32>
          %parallel_loop3A_254 = arith.constant 16 : i32
          %parallel_loop3A_255 = arith.muli %parallel_loop3A_151, %parallel_loop3A_254 : i32
          %parallel_loop3A_256 = arith.constant 0 : i32
          %parallel_loop3A_257 = arith.constant 6 : i32
          %parallel_loop3A_258 = arith.index_cast %parallel_loop3A_256 : i32 to index
          %parallel_loop3A_259 = arith.index_cast %parallel_loop3A_257 : i32 to index
          %parallel_loop3A_260 = arith.index_cast %parallel_loop3A_255 : i32 to index
          %parallel_loop3A_261 = tpu.vector_load %arg5[%parallel_loop3A_258, %parallel_loop3A_259, %parallel_loop3A_260] {strides = array<i32>} : memref<3x8x2048xf32, #tpu.memory_space<vmem>>, vector<1x1x16xf32>,
          %parallel_loop3A_262 = vector.shape_cast %parallel_loop3A_261 : vector<1x1x16xf32> to vector<16xf32>
          %parallel_loop3A_263 = vector.shape_cast %parallel_loop3A_253 : vector<16xf32> to vector<1x1x16xf32>
          tpu.vector_store %arg5[%parallel_loop3A_258, %parallel_loop3A_259, %parallel_loop3A_260], %parallel_loop3A_263 {strides = array<i32>} : memref<3x8x2048xf32, #tpu.memory_space<vmem>>, vector<1x1x16xf32>,
          %parallel_loop3A_264 = arith.constant 16 : i32
          %parallel_loop3A_265 = arith.muli %parallel_loop3A_151, %parallel_loop3A_264 : i32
          %parallel_loop3A_266 = arith.addi %sub3A_133, %parallel_loop3A_265 : i32
          %parallel_loop3A_267 = arith.index_cast %parallel_loop3A_266 : i32 to index
          %parallel_loop3A_268 = tpu.vector_load %arg4[%parallel_loop3A_267] {strides = array<i32>} : memref<4096xf32, #tpu.memory_space<vmem>>, vector<16xf32>,
          %parallel_loop3A_269 = vector.shape_cast %parallel_loop3A_268 : vector<16xf32> to vector<16xf32>
          %parallel_loop3A_270 = arith.constant 16 : i32
          %parallel_loop3A_271 = arith.muli %parallel_loop3A_151, %parallel_loop3A_270 : i32
          %parallel_loop3A_272 = arith.constant 0 : i32
          %parallel_loop3A_273 = arith.constant 7 : i32
          %parallel_loop3A_274 = arith.index_cast %parallel_loop3A_272 : i32 to index
          %parallel_loop3A_275 = arith.index_cast %parallel_loop3A_273 : i32 to index
          %parallel_loop3A_276 = arith.index_cast %parallel_loop3A_271 : i32 to index
          %parallel_loop3A_277 = tpu.vector_load %arg5[%parallel_loop3A_274, %parallel_loop3A_275, %parallel_loop3A_276] {strides = array<i32>} : memref<3x8x2048xf32, #tpu.memory_space<vmem>>, vector<1x1x16xf32>,
          %parallel_loop3A_278 = vector.shape_cast %parallel_loop3A_277 : vector<1x1x16xf32> to vector<16xf32>
          %parallel_loop3A_279 = vector.shape_cast %parallel_loop3A_269 : vector<16xf32> to vector<1x1x16xf32>
          tpu.vector_store %arg5[%parallel_loop3A_274, %parallel_loop3A_275, %parallel_loop3A_276], %parallel_loop3A_279 {strides = array<i32>} : memref<3x8x2048xf32, #tpu.memory_space<vmem>>, vector<1x1x16xf32>,
        } {sc.loop_unroll_factor = 4 : i64, sc.parallel_access}
        %mul3A_136 = arith.constant 8 : i32
        %mul3A_137 = arith.muli %add3A_74, %mul3A_136 : i32
        %add3A_138 = arith.addi %mul3A_18, %mul3A_137 : i32
        %multiple_of3A = tpu.assume_multiple %add3A_138, 8 : i32
        %dma_start3A = arith.constant 0 : i32
        %dma_start3A_139 = arith.constant 0 : i32
        %dma_start3A_140 = arith.constant 0 : i32
        %dma_start3A_141 = tpu.memref_slice %arg5[%dma_start3A, %dma_start3A_139, %dma_start3A_140] : memref<3x8x2048xf32, #tpu.memory_space<vmem>> -> memref<1x8x2048xf32, #tpu.memory_space<vmem>>
        %dma_start3A_142 = tpu.memref_squeeze %dma_start3A_141 : memref<1x8x2048xf32, #tpu.memory_space<vmem>> -> memref<8x2048xf32, #tpu.memory_space<vmem>>
        %dma_start3A_143 = arith.constant 0 : i32
        %dma_start3A_144 = tpu.memref_slice %arg3[%multiple_of3A, %dma_start3A_143] : memref<32768x2048xf32, #tpu.memory_space<hbm>> -> memref<8x2048xf32, #tpu.memory_space<hbm>>
        %dma_start3A_145 = arith.constant 0 : i32
        %dma_start3A_146 = tpu.memref_slice %arg3[%multiple_of3A, %dma_start3A_145] : memref<32768x2048xf32, #tpu.memory_space<hbm>> -> memref<8x2048xf32, #tpu.memory_space<hbm>>
        %dma_start3A_147 = arith.constant 0 : i32
        %dma_start3A_148 = arith.constant 0 : i32
        %dma_start3A_149 = tpu.memref_slice %arg5[%dma_start3A, %dma_start3A_147, %dma_start3A_148] : memref<3x8x2048xf32, #tpu.memory_space<vmem>> -> memref<1x8x2048xf32, #tpu.memory_space<vmem>>
        %dma_start3A_150 = tpu.memref_squeeze %dma_start3A_149 : memref<1x8x2048xf32, #tpu.memory_space<vmem>> -> memref<8x2048xf32, #tpu.memory_space<vmem>>
        tpu.enqueue_dma source(%dma_start3A_150 : memref<8x2048xf32, #tpu.memory_space<vmem>>) target(%dma_start3A_146 : memref<8x2048xf32, #tpu.memory_space<hbm>>) target_semaphore(%arg6 : memref<!tpu.dma_semaphore, #tpu.memory_space<semaphore_mem>>)
      } else {
      }
      %mul3A_77 = arith.constant 3 : i32
      %mul3A_78 = arith.muli %scan3A_70, %mul3A_77 : i32
      %add3A_79 = arith.constant 1 : i32
      %add3A_80 = arith.addi %mul3A_78, %add3A_79 : i32
      %lt3A_81 = arith.constant 128 : i32
      %lt3A_82 = arith.cmpi slt, %add3A_80, %lt3A_81 : i32
      %convert_element_type3A_83 = arith.extui %lt3A_82 : i1 to i32
      %cond3A_84 = arith.constant 0 : i32
      %cond3A_85 = arith.cmpi ne, %convert_element_type3A_83, %cond3A_84 : i32
      scf.if %cond3A_85 {
        %gt3A = arith.constant 0 : i32
        %gt3A_95 = arith.cmpi sgt, %scan3A_70, %gt3A : i32
        %convert_element_type3A_96 = arith.extui %gt3A_95 : i1 to i32
        %cond3A_97 = arith.constant 0 : i32
        %cond3A_98 = arith.cmpi ne, %convert_element_type3A_96, %cond3A_97 : i32
        scf.if %cond3A_98 {
          %dma_wait3A_151 = arith.constant 0 : i32
          %dma_wait3A_152 = arith.constant 0 : i32
          %dma_wait3A_153 = arith.constant 0 : i32
          %dma_wait3A_154 = tpu.memref_slice %arg5[%dma_wait3A_151, %dma_wait3A_152, %dma_wait3A_153] : memref<3x8x2048xf32, #tpu.memory_space<vmem>> -> memref<1x8x2048xf32, #tpu.memory_space<vmem>>
          %dma_wait3A_155 = tpu.memref_squeeze %dma_wait3A_154 : memref<1x8x2048xf32, #tpu.memory_space<vmem>> -> memref<8x2048xf32, #tpu.memory_space<vmem>>
          %dma_wait3A_156 = arith.constant 0 : i32
          %dma_wait3A_157 = arith.constant 0 : i32
          %dma_wait3A_158 = tpu.memref_slice %arg3[%dma_wait3A_156, %dma_wait3A_157] : memref<32768x2048xf32, #tpu.memory_space<hbm>> -> memref<8x2048xf32, #tpu.memory_space<hbm>>
          %dma_wait3A_159 = arith.constant 0 : i32
          %dma_wait3A_160 = arith.constant 0 : i32
          %dma_wait3A_161 = tpu.memref_slice %arg3[%dma_wait3A_159, %dma_wait3A_160] : memref<32768x2048xf32, #tpu.memory_space<hbm>> -> memref<8x2048xf32, #tpu.memory_space<hbm>>
          %dma_wait3A_162 = arith.constant 0 : i32
          %dma_wait3A_163 = arith.constant 0 : i32
          %dma_wait3A_164 = tpu.memref_slice %arg5[%dma_wait3A_151, %dma_wait3A_162, %dma_wait3A_163] : memref<3x8x2048xf32, #tpu.memory_space<vmem>> -> memref<1x8x2048xf32, #tpu.memory_space<vmem>>
          %dma_wait3A_165 = tpu.memref_squeeze %dma_wait3A_164 : memref<1x8x2048xf32, #tpu.memory_space<vmem>> -> memref<8x2048xf32, #tpu.memory_space<vmem>>
          tpu.wait_dma2 semaphore(%arg6 : memref<!tpu.dma_semaphore, #tpu.memory_space<semaphore_mem>>) src(%dma_wait3A_165 : memref<8x2048xf32, #tpu.memory_space<vmem>>) dst(%dma_wait3A_161 : memref<8x2048xf32, #tpu.memory_space<hbm>>)
        } else {
        }
        %mul3A_99 = arith.constant 8 : i32
        %mul3A_100 = arith.muli %add3A_80, %mul3A_99 : i32
        %add3A_101 = arith.addi %rem3A_20, %mul3A_100 : i32
        %add3A_102 = arith.constant 0 : i32
        %add3A_103 = arith.addi %add3A_101, %add3A_102 : i32
        %sub3A_104 = arith.constant 2047 : i32
        %sub3A_105 = arith.subi %sub3A_104, %add3A_103 : i32
        %add3A_106 = arith.constant 1 : i32
        %add3A_107 = arith.addi %add3A_101, %add3A_106 : i32
        %sub3A_108 = arith.constant 2047 : i32
        %sub3A_109 = arith.subi %sub3A_108, %add3A_107 : i32
        %add3A_110 = arith.constant 2 : i32
        %add3A_111 = arith.addi %add3A_101, %add3A_110 : i32
        %sub3A_112 = arith.constant 2047 : i32
        %sub3A_113 = arith.subi %sub3A_112, %add3A_111 : i32
        %add3A_114 = arith.constant 3 : i32
        %add3A_115 = arith.addi %add3A_101, %add3A_114 : i32
        %sub3A_116 = arith.constant 2047 : i32
        %sub3A_117 = arith.subi %sub3A_116, %add3A_115 : i32
        %add3A_118 = arith.constant 4 : i32
        %add3A_119 = arith.addi %add3A_101, %add3A_118 : i32
        %sub3A_120 = arith.constant 2047 : i32
        %sub3A_121 = arith.subi %sub3A_120, %add3A_119 : i32
        %add3A_122 = arith.constant 5 : i32
        %add3A_123 = arith.addi %add3A_101, %add3A_122 : i32
        %sub3A_124 = arith.constant 2047 : i32
        %sub3A_125 = arith.subi %sub3A_124, %add3A_123 : i32
        %add3A_126 = arith.constant 6 : i32
        %add3A_127 = arith.addi %add3A_101, %add3A_126 : i32
        %sub3A_128 = arith.constant 2047 : i32
        %sub3A_129 = arith.subi %sub3A_128, %add3A_127 : i32
        %add3A_130 = arith.constant 7 : i32
        %add3A_131 = arith.addi %add3A_101, %add3A_130 : i32
        %sub3A_132 = arith.constant 2047 : i32
        %sub3A_133 = arith.subi %sub3A_132, %add3A_131 : i32
        %parallel_loop3A = arith.constant 0 : i32
        %parallel_loop3A_134 = arith.constant 128 : i32
        %parallel_loop3A_135 = arith.constant 1 : i32
        scf.for %parallel_loop3A_151 = %parallel_loop3A to %parallel_loop3A_134 step %parallel_loop3A_135  : i32 {
          %parallel_loop3A_152 = arith.constant 16 : i32
          %parallel_loop3A_153 = arith.muli %parallel_loop3A_151, %parallel_loop3A_152 : i32
          %parallel_loop3A_154 = arith.addi %sub3A_105, %parallel_loop3A_153 : i32
          %parallel_loop3A_155 = arith.index_cast %parallel_loop3A_154 : i32 to index
          %parallel_loop3A_156 = tpu.vector_load %arg4[%parallel_loop3A_155] {strides = array<i32>} : memref<4096xf32, #tpu.memory_space<vmem>>, vector<16xf32>,
          %parallel_loop3A_157 = vector.shape_cast %parallel_loop3A_156 : vector<16xf32> to vector<16xf32>
          %parallel_loop3A_158 = arith.constant 16 : i32
          %parallel_loop3A_159 = arith.muli %parallel_loop3A_151, %parallel_loop3A_158 : i32
          %parallel_loop3A_160 = arith.constant 1 : i32
          %parallel_loop3A_161 = arith.constant 0 : i32
          %parallel_loop3A_162 = arith.index_cast %parallel_loop3A_160 : i32 to index
          %parallel_loop3A_163 = arith.index_cast %parallel_loop3A_161 : i32 to index
          %parallel_loop3A_164 = arith.index_cast %parallel_loop3A_159 : i32 to index
          %parallel_loop3A_165 = tpu.vector_load %arg5[%parallel_loop3A_162, %parallel_loop3A_163, %parallel_loop3A_164] {strides = array<i32>} : memref<3x8x2048xf32, #tpu.memory_space<vmem>>, vector<1x1x16xf32>,
          %parallel_loop3A_166 = vector.shape_cast %parallel_loop3A_165 : vector<1x1x16xf32> to vector<16xf32>
          %parallel_loop3A_167 = vector.shape_cast %parallel_loop3A_157 : vector<16xf32> to vector<1x1x16xf32>
          tpu.vector_store %arg5[%parallel_loop3A_162, %parallel_loop3A_163, %parallel_loop3A_164], %parallel_loop3A_167 {strides = array<i32>} : memref<3x8x2048xf32, #tpu.memory_space<vmem>>, vector<1x1x16xf32>,
          %parallel_loop3A_168 = arith.constant 16 : i32
          %parallel_loop3A_169 = arith.muli %parallel_loop3A_151, %parallel_loop3A_168 : i32
          %parallel_loop3A_170 = arith.addi %sub3A_109, %parallel_loop3A_169 : i32
          %parallel_loop3A_171 = arith.index_cast %parallel_loop3A_170 : i32 to index
          %parallel_loop3A_172 = tpu.vector_load %arg4[%parallel_loop3A_171] {strides = array<i32>} : memref<4096xf32, #tpu.memory_space<vmem>>, vector<16xf32>,
          %parallel_loop3A_173 = vector.shape_cast %parallel_loop3A_172 : vector<16xf32> to vector<16xf32>
          %parallel_loop3A_174 = arith.constant 16 : i32
          %parallel_loop3A_175 = arith.muli %parallel_loop3A_151, %parallel_loop3A_174 : i32
          %parallel_loop3A_176 = arith.constant 1 : i32
          %parallel_loop3A_177 = arith.constant 1 : i32
          %parallel_loop3A_178 = arith.index_cast %parallel_loop3A_176 : i32 to index
          %parallel_loop3A_179 = arith.index_cast %parallel_loop3A_177 : i32 to index
          %parallel_loop3A_180 = arith.index_cast %parallel_loop3A_175 : i32 to index
          %parallel_loop3A_181 = tpu.vector_load %arg5[%parallel_loop3A_178, %parallel_loop3A_179, %parallel_loop3A_180] {strides = array<i32>} : memref<3x8x2048xf32, #tpu.memory_space<vmem>>, vector<1x1x16xf32>,
          %parallel_loop3A_182 = vector.shape_cast %parallel_loop3A_181 : vector<1x1x16xf32> to vector<16xf32>
          %parallel_loop3A_183 = vector.shape_cast %parallel_loop3A_173 : vector<16xf32> to vector<1x1x16xf32>
          tpu.vector_store %arg5[%parallel_loop3A_178, %parallel_loop3A_179, %parallel_loop3A_180], %parallel_loop3A_183 {strides = array<i32>} : memref<3x8x2048xf32, #tpu.memory_space<vmem>>, vector<1x1x16xf32>,
          %parallel_loop3A_184 = arith.constant 16 : i32
          %parallel_loop3A_185 = arith.muli %parallel_loop3A_151, %parallel_loop3A_184 : i32
          %parallel_loop3A_186 = arith.addi %sub3A_113, %parallel_loop3A_185 : i32
          %parallel_loop3A_187 = arith.index_cast %parallel_loop3A_186 : i32 to index
          %parallel_loop3A_188 = tpu.vector_load %arg4[%parallel_loop3A_187] {strides = array<i32>} : memref<4096xf32, #tpu.memory_space<vmem>>, vector<16xf32>,
          %parallel_loop3A_189 = vector.shape_cast %parallel_loop3A_188 : vector<16xf32> to vector<16xf32>
          %parallel_loop3A_190 = arith.constant 16 : i32
          %parallel_loop3A_191 = arith.muli %parallel_loop3A_151, %parallel_loop3A_190 : i32
          %parallel_loop3A_192 = arith.constant 1 : i32
          %parallel_loop3A_193 = arith.constant 2 : i32
          %parallel_loop3A_194 = arith.index_cast %parallel_loop3A_192 : i32 to index
          %parallel_loop3A_195 = arith.index_cast %parallel_loop3A_193 : i32 to index
          %parallel_loop3A_196 = arith.index_cast %parallel_loop3A_191 : i32 to index
          %parallel_loop3A_197 = tpu.vector_load %arg5[%parallel_loop3A_194, %parallel_loop3A_195, %parallel_loop3A_196] {strides = array<i32>} : memref<3x8x2048xf32, #tpu.memory_space<vmem>>, vector<1x1x16xf32>,
          %parallel_loop3A_198 = vector.shape_cast %parallel_loop3A_197 : vector<1x1x16xf32> to vector<16xf32>
          %parallel_loop3A_199 = vector.shape_cast %parallel_loop3A_189 : vector<16xf32> to vector<1x1x16xf32>
          tpu.vector_store %arg5[%parallel_loop3A_194, %parallel_loop3A_195, %parallel_loop3A_196], %parallel_loop3A_199 {strides = array<i32>} : memref<3x8x2048xf32, #tpu.memory_space<vmem>>, vector<1x1x16xf32>,
          %parallel_loop3A_200 = arith.constant 16 : i32
          %parallel_loop3A_201 = arith.muli %parallel_loop3A_151, %parallel_loop3A_200 : i32
          %parallel_loop3A_202 = arith.addi %sub3A_117, %parallel_loop3A_201 : i32
          %parallel_loop3A_203 = arith.index_cast %parallel_loop3A_202 : i32 to index
          %parallel_loop3A_204 = tpu.vector_load %arg4[%parallel_loop3A_203] {strides = array<i32>} : memref<4096xf32, #tpu.memory_space<vmem>>, vector<16xf32>,
          %parallel_loop3A_205 = vector.shape_cast %parallel_loop3A_204 : vector<16xf32> to vector<16xf32>
          %parallel_loop3A_206 = arith.constant 16 : i32
          %parallel_loop3A_207 = arith.muli %parallel_loop3A_151, %parallel_loop3A_206 : i32
          %parallel_loop3A_208 = arith.constant 1 : i32
          %parallel_loop3A_209 = arith.constant 3 : i32
          %parallel_loop3A_210 = arith.index_cast %parallel_loop3A_208 : i32 to index
          %parallel_loop3A_211 = arith.index_cast %parallel_loop3A_209 : i32 to index
          %parallel_loop3A_212 = arith.index_cast %parallel_loop3A_207 : i32 to index
          %parallel_loop3A_213 = tpu.vector_load %arg5[%parallel_loop3A_210, %parallel_loop3A_211, %parallel_loop3A_212] {strides = array<i32>} : memref<3x8x2048xf32, #tpu.memory_space<vmem>>, vector<1x1x16xf32>,
          %parallel_loop3A_214 = vector.shape_cast %parallel_loop3A_213 : vector<1x1x16xf32> to vector<16xf32>
          %parallel_loop3A_215 = vector.shape_cast %parallel_loop3A_205 : vector<16xf32> to vector<1x1x16xf32>
          tpu.vector_store %arg5[%parallel_loop3A_210, %parallel_loop3A_211, %parallel_loop3A_212], %parallel_loop3A_215 {strides = array<i32>} : memref<3x8x2048xf32, #tpu.memory_space<vmem>>, vector<1x1x16xf32>,
          %parallel_loop3A_216 = arith.constant 16 : i32
          %parallel_loop3A_217 = arith.muli %parallel_loop3A_151, %parallel_loop3A_216 : i32
          %parallel_loop3A_218 = arith.addi %sub3A_121, %parallel_loop3A_217 : i32
          %parallel_loop3A_219 = arith.index_cast %parallel_loop3A_218 : i32 to index
          %parallel_loop3A_220 = tpu.vector_load %arg4[%parallel_loop3A_219] {strides = array<i32>} : memref<4096xf32, #tpu.memory_space<vmem>>, vector<16xf32>,
          %parallel_loop3A_221 = vector.shape_cast %parallel_loop3A_220 : vector<16xf32> to vector<16xf32>
          %parallel_loop3A_222 = arith.constant 16 : i32
          %parallel_loop3A_223 = arith.muli %parallel_loop3A_151, %parallel_loop3A_222 : i32
          %parallel_loop3A_224 = arith.constant 1 : i32
          %parallel_loop3A_225 = arith.constant 4 : i32
          %parallel_loop3A_226 = arith.index_cast %parallel_loop3A_224 : i32 to index
          %parallel_loop3A_227 = arith.index_cast %parallel_loop3A_225 : i32 to index
          %parallel_loop3A_228 = arith.index_cast %parallel_loop3A_223 : i32 to index
          %parallel_loop3A_229 = tpu.vector_load %arg5[%parallel_loop3A_226, %parallel_loop3A_227, %parallel_loop3A_228] {strides = array<i32>} : memref<3x8x2048xf32, #tpu.memory_space<vmem>>, vector<1x1x16xf32>,
          %parallel_loop3A_230 = vector.shape_cast %parallel_loop3A_229 : vector<1x1x16xf32> to vector<16xf32>
          %parallel_loop3A_231 = vector.shape_cast %parallel_loop3A_221 : vector<16xf32> to vector<1x1x16xf32>
          tpu.vector_store %arg5[%parallel_loop3A_226, %parallel_loop3A_227, %parallel_loop3A_228], %parallel_loop3A_231 {strides = array<i32>} : memref<3x8x2048xf32, #tpu.memory_space<vmem>>, vector<1x1x16xf32>,
          %parallel_loop3A_232 = arith.constant 16 : i32
          %parallel_loop3A_233 = arith.muli %parallel_loop3A_151, %parallel_loop3A_232 : i32
          %parallel_loop3A_234 = arith.addi %sub3A_125, %parallel_loop3A_233 : i32
          %parallel_loop3A_235 = arith.index_cast %parallel_loop3A_234 : i32 to index
          %parallel_loop3A_236 = tpu.vector_load %arg4[%parallel_loop3A_235] {strides = array<i32>} : memref<4096xf32, #tpu.memory_space<vmem>>, vector<16xf32>,
          %parallel_loop3A_237 = vector.shape_cast %parallel_loop3A_236 : vector<16xf32> to vector<16xf32>
          %parallel_loop3A_238 = arith.constant 16 : i32
          %parallel_loop3A_239 = arith.muli %parallel_loop3A_151, %parallel_loop3A_238 : i32
          %parallel_loop3A_240 = arith.constant 1 : i32
          %parallel_loop3A_241 = arith.constant 5 : i32
          %parallel_loop3A_242 = arith.index_cast %parallel_loop3A_240 : i32 to index
          %parallel_loop3A_243 = arith.index_cast %parallel_loop3A_241 : i32 to index
          %parallel_loop3A_244 = arith.index_cast %parallel_loop3A_239 : i32 to index
          %parallel_loop3A_245 = tpu.vector_load %arg5[%parallel_loop3A_242, %parallel_loop3A_243, %parallel_loop3A_244] {strides = array<i32>} : memref<3x8x2048xf32, #tpu.memory_space<vmem>>, vector<1x1x16xf32>,
          %parallel_loop3A_246 = vector.shape_cast %parallel_loop3A_245 : vector<1x1x16xf32> to vector<16xf32>
          %parallel_loop3A_247 = vector.shape_cast %parallel_loop3A_237 : vector<16xf32> to vector<1x1x16xf32>
          tpu.vector_store %arg5[%parallel_loop3A_242, %parallel_loop3A_243, %parallel_loop3A_244], %parallel_loop3A_247 {strides = array<i32>} : memref<3x8x2048xf32, #tpu.memory_space<vmem>>, vector<1x1x16xf32>,
          %parallel_loop3A_248 = arith.constant 16 : i32
          %parallel_loop3A_249 = arith.muli %parallel_loop3A_151, %parallel_loop3A_248 : i32
          %parallel_loop3A_250 = arith.addi %sub3A_129, %parallel_loop3A_249 : i32
          %parallel_loop3A_251 = arith.index_cast %parallel_loop3A_250 : i32 to index
          %parallel_loop3A_252 = tpu.vector_load %arg4[%parallel_loop3A_251] {strides = array<i32>} : memref<4096xf32, #tpu.memory_space<vmem>>, vector<16xf32>,
          %parallel_loop3A_253 = vector.shape_cast %parallel_loop3A_252 : vector<16xf32> to vector<16xf32>
          %parallel_loop3A_254 = arith.constant 16 : i32
          %parallel_loop3A_255 = arith.muli %parallel_loop3A_151, %parallel_loop3A_254 : i32
          %parallel_loop3A_256 = arith.constant 1 : i32
          %parallel_loop3A_257 = arith.constant 6 : i32
          %parallel_loop3A_258 = arith.index_cast %parallel_loop3A_256 : i32 to index
          %parallel_loop3A_259 = arith.index_cast %parallel_loop3A_257 : i32 to index
          %parallel_loop3A_260 = arith.index_cast %parallel_loop3A_255 : i32 to index
          %parallel_loop3A_261 = tpu.vector_load %arg5[%parallel_loop3A_258, %parallel_loop3A_259, %parallel_loop3A_260] {strides = array<i32>} : memref<3x8x2048xf32, #tpu.memory_space<vmem>>, vector<1x1x16xf32>,
          %parallel_loop3A_262 = vector.shape_cast %parallel_loop3A_261 : vector<1x1x16xf32> to vector<16xf32>
          %parallel_loop3A_263 = vector.shape_cast %parallel_loop3A_253 : vector<16xf32> to vector<1x1x16xf32>
          tpu.vector_store %arg5[%parallel_loop3A_258, %parallel_loop3A_259, %parallel_loop3A_260], %parallel_loop3A_263 {strides = array<i32>} : memref<3x8x2048xf32, #tpu.memory_space<vmem>>, vector<1x1x16xf32>,
          %parallel_loop3A_264 = arith.constant 16 : i32
          %parallel_loop3A_265 = arith.muli %parallel_loop3A_151, %parallel_loop3A_264 : i32
          %parallel_loop3A_266 = arith.addi %sub3A_133, %parallel_loop3A_265 : i32
          %parallel_loop3A_267 = arith.index_cast %parallel_loop3A_266 : i32 to index
          %parallel_loop3A_268 = tpu.vector_load %arg4[%parallel_loop3A_267] {strides = array<i32>} : memref<4096xf32, #tpu.memory_space<vmem>>, vector<16xf32>,
          %parallel_loop3A_269 = vector.shape_cast %parallel_loop3A_268 : vector<16xf32> to vector<16xf32>
          %parallel_loop3A_270 = arith.constant 16 : i32
          %parallel_loop3A_271 = arith.muli %parallel_loop3A_151, %parallel_loop3A_270 : i32
          %parallel_loop3A_272 = arith.constant 1 : i32
          %parallel_loop3A_273 = arith.constant 7 : i32
          %parallel_loop3A_274 = arith.index_cast %parallel_loop3A_272 : i32 to index
          %parallel_loop3A_275 = arith.index_cast %parallel_loop3A_273 : i32 to index
          %parallel_loop3A_276 = arith.index_cast %parallel_loop3A_271 : i32 to index
          %parallel_loop3A_277 = tpu.vector_load %arg5[%parallel_loop3A_274, %parallel_loop3A_275, %parallel_loop3A_276] {strides = array<i32>} : memref<3x8x2048xf32, #tpu.memory_space<vmem>>, vector<1x1x16xf32>,
          %parallel_loop3A_278 = vector.shape_cast %parallel_loop3A_277 : vector<1x1x16xf32> to vector<16xf32>
          %parallel_loop3A_279 = vector.shape_cast %parallel_loop3A_269 : vector<16xf32> to vector<1x1x16xf32>
          tpu.vector_store %arg5[%parallel_loop3A_274, %parallel_loop3A_275, %parallel_loop3A_276], %parallel_loop3A_279 {strides = array<i32>} : memref<3x8x2048xf32, #tpu.memory_space<vmem>>, vector<1x1x16xf32>,
        } {sc.loop_unroll_factor = 4 : i64, sc.parallel_access}
        %mul3A_136 = arith.constant 8 : i32
        %mul3A_137 = arith.muli %add3A_80, %mul3A_136 : i32
        %add3A_138 = arith.addi %mul3A_18, %mul3A_137 : i32
        %multiple_of3A = tpu.assume_multiple %add3A_138, 8 : i32
        %dma_start3A = arith.constant 1 : i32
        %dma_start3A_139 = arith.constant 0 : i32
        %dma_start3A_140 = arith.constant 0 : i32
        %dma_start3A_141 = tpu.memref_slice %arg5[%dma_start3A, %dma_start3A_139, %dma_start3A_140] : memref<3x8x2048xf32, #tpu.memory_space<vmem>> -> memref<1x8x2048xf32, #tpu.memory_space<vmem>>
        %dma_start3A_142 = tpu.memref_squeeze %dma_start3A_141 : memref<1x8x2048xf32, #tpu.memory_space<vmem>> -> memref<8x2048xf32, #tpu.memory_space<vmem>>
        %dma_start3A_143 = arith.constant 0 : i32
        %dma_start3A_144 = tpu.memref_slice %arg3[%multiple_of3A, %dma_start3A_143] : memref<32768x2048xf32, #tpu.memory_space<hbm>> -> memref<8x2048xf32, #tpu.memory_space<hbm>>
        %dma_start3A_145 = arith.constant 0 : i32
        %dma_start3A_146 = tpu.memref_slice %arg3[%multiple_of3A, %dma_start3A_145] : memref<32768x2048xf32, #tpu.memory_space<hbm>> -> memref<8x2048xf32, #tpu.memory_space<hbm>>
        %dma_start3A_147 = arith.constant 0 : i32
        %dma_start3A_148 = arith.constant 0 : i32
        %dma_start3A_149 = tpu.memref_slice %arg5[%dma_start3A, %dma_start3A_147, %dma_start3A_148] : memref<3x8x2048xf32, #tpu.memory_space<vmem>> -> memref<1x8x2048xf32, #tpu.memory_space<vmem>>
        %dma_start3A_150 = tpu.memref_squeeze %dma_start3A_149 : memref<1x8x2048xf32, #tpu.memory_space<vmem>> -> memref<8x2048xf32, #tpu.memory_space<vmem>>
        tpu.enqueue_dma source(%dma_start3A_150 : memref<8x2048xf32, #tpu.memory_space<vmem>>) target(%dma_start3A_146 : memref<8x2048xf32, #tpu.memory_space<hbm>>) target_semaphore(%arg6 : memref<!tpu.dma_semaphore, #tpu.memory_space<semaphore_mem>>)
      } else {
      }
      %mul3A_86 = arith.constant 3 : i32
      %mul3A_87 = arith.muli %scan3A_70, %mul3A_86 : i32
      %add3A_88 = arith.constant 2 : i32
      %add3A_89 = arith.addi %mul3A_87, %add3A_88 : i32
      %lt3A_90 = arith.constant 128 : i32
      %lt3A_91 = arith.cmpi slt, %add3A_89, %lt3A_90 : i32
      %convert_element_type3A_92 = arith.extui %lt3A_91 : i1 to i32
      %cond3A_93 = arith.constant 0 : i32
      %cond3A_94 = arith.cmpi ne, %convert_element_type3A_92, %cond3A_93 : i32
      scf.if %cond3A_94 {
        %gt3A = arith.constant 0 : i32
        %gt3A_95 = arith.cmpi sgt, %scan3A_70, %gt3A : i32
        %convert_element_type3A_96 = arith.extui %gt3A_95 : i1 to i32
        %cond3A_97 = arith.constant 0 : i32
        %cond3A_98 = arith.cmpi ne, %convert_element_type3A_96, %cond3A_97 : i32
        scf.if %cond3A_98 {
          %dma_wait3A_151 = arith.constant 0 : i32
          %dma_wait3A_152 = arith.constant 0 : i32
          %dma_wait3A_153 = arith.constant 0 : i32
          %dma_wait3A_154 = tpu.memref_slice %arg5[%dma_wait3A_151, %dma_wait3A_152, %dma_wait3A_153] : memref<3x8x2048xf32, #tpu.memory_space<vmem>> -> memref<1x8x2048xf32, #tpu.memory_space<vmem>>
          %dma_wait3A_155 = tpu.memref_squeeze %dma_wait3A_154 : memref<1x8x2048xf32, #tpu.memory_space<vmem>> -> memref<8x2048xf32, #tpu.memory_space<vmem>>
          %dma_wait3A_156 = arith.constant 0 : i32
          %dma_wait3A_157 = arith.constant 0 : i32
          %dma_wait3A_158 = tpu.memref_slice %arg3[%dma_wait3A_156, %dma_wait3A_157] : memref<32768x2048xf32, #tpu.memory_space<hbm>> -> memref<8x2048xf32, #tpu.memory_space<hbm>>
          %dma_wait3A_159 = arith.constant 0 : i32
          %dma_wait3A_160 = arith.constant 0 : i32
          %dma_wait3A_161 = tpu.memref_slice %arg3[%dma_wait3A_159, %dma_wait3A_160] : memref<32768x2048xf32, #tpu.memory_space<hbm>> -> memref<8x2048xf32, #tpu.memory_space<hbm>>
          %dma_wait3A_162 = arith.constant 0 : i32
          %dma_wait3A_163 = arith.constant 0 : i32
          %dma_wait3A_164 = tpu.memref_slice %arg5[%dma_wait3A_151, %dma_wait3A_162, %dma_wait3A_163] : memref<3x8x2048xf32, #tpu.memory_space<vmem>> -> memref<1x8x2048xf32, #tpu.memory_space<vmem>>
          %dma_wait3A_165 = tpu.memref_squeeze %dma_wait3A_164 : memref<1x8x2048xf32, #tpu.memory_space<vmem>> -> memref<8x2048xf32, #tpu.memory_space<vmem>>
          tpu.wait_dma2 semaphore(%arg6 : memref<!tpu.dma_semaphore, #tpu.memory_space<semaphore_mem>>) src(%dma_wait3A_165 : memref<8x2048xf32, #tpu.memory_space<vmem>>) dst(%dma_wait3A_161 : memref<8x2048xf32, #tpu.memory_space<hbm>>)
        } else {
        }
        %mul3A_99 = arith.constant 8 : i32
        %mul3A_100 = arith.muli %add3A_89, %mul3A_99 : i32
        %add3A_101 = arith.addi %rem3A_20, %mul3A_100 : i32
        %add3A_102 = arith.constant 0 : i32
        %add3A_103 = arith.addi %add3A_101, %add3A_102 : i32
        %sub3A_104 = arith.constant 2047 : i32
        %sub3A_105 = arith.subi %sub3A_104, %add3A_103 : i32
        %add3A_106 = arith.constant 1 : i32
        %add3A_107 = arith.addi %add3A_101, %add3A_106 : i32
        %sub3A_108 = arith.constant 2047 : i32
        %sub3A_109 = arith.subi %sub3A_108, %add3A_107 : i32
        %add3A_110 = arith.constant 2 : i32
        %add3A_111 = arith.addi %add3A_101, %add3A_110 : i32
        %sub3A_112 = arith.constant 2047 : i32
        %sub3A_113 = arith.subi %sub3A_112, %add3A_111 : i32
        %add3A_114 = arith.constant 3 : i32
        %add3A_115 = arith.addi %add3A_101, %add3A_114 : i32
        %sub3A_116 = arith.constant 2047 : i32
        %sub3A_117 = arith.subi %sub3A_116, %add3A_115 : i32
        %add3A_118 = arith.constant 4 : i32
        %add3A_119 = arith.addi %add3A_101, %add3A_118 : i32
        %sub3A_120 = arith.constant 2047 : i32
        %sub3A_121 = arith.subi %sub3A_120, %add3A_119 : i32
        %add3A_122 = arith.constant 5 : i32
        %add3A_123 = arith.addi %add3A_101, %add3A_122 : i32
        %sub3A_124 = arith.constant 2047 : i32
        %sub3A_125 = arith.subi %sub3A_124, %add3A_123 : i32
        %add3A_126 = arith.constant 6 : i32
        %add3A_127 = arith.addi %add3A_101, %add3A_126 : i32
        %sub3A_128 = arith.constant 2047 : i32
        %sub3A_129 = arith.subi %sub3A_128, %add3A_127 : i32
        %add3A_130 = arith.constant 7 : i32
        %add3A_131 = arith.addi %add3A_101, %add3A_130 : i32
        %sub3A_132 = arith.constant 2047 : i32
        %sub3A_133 = arith.subi %sub3A_132, %add3A_131 : i32
        %parallel_loop3A = arith.constant 0 : i32
        %parallel_loop3A_134 = arith.constant 128 : i32
        %parallel_loop3A_135 = arith.constant 1 : i32
        scf.for %parallel_loop3A_151 = %parallel_loop3A to %parallel_loop3A_134 step %parallel_loop3A_135  : i32 {
          %parallel_loop3A_152 = arith.constant 16 : i32
          %parallel_loop3A_153 = arith.muli %parallel_loop3A_151, %parallel_loop3A_152 : i32
          %parallel_loop3A_154 = arith.addi %sub3A_105, %parallel_loop3A_153 : i32
          %parallel_loop3A_155 = arith.index_cast %parallel_loop3A_154 : i32 to index
          %parallel_loop3A_156 = tpu.vector_load %arg4[%parallel_loop3A_155] {strides = array<i32>} : memref<4096xf32, #tpu.memory_space<vmem>>, vector<16xf32>,
          %parallel_loop3A_157 = vector.shape_cast %parallel_loop3A_156 : vector<16xf32> to vector<16xf32>
          %parallel_loop3A_158 = arith.constant 16 : i32
          %parallel_loop3A_159 = arith.muli %parallel_loop3A_151, %parallel_loop3A_158 : i32
          %parallel_loop3A_160 = arith.constant 2 : i32
          %parallel_loop3A_161 = arith.constant 0 : i32
          %parallel_loop3A_162 = arith.index_cast %parallel_loop3A_160 : i32 to index
          %parallel_loop3A_163 = arith.index_cast %parallel_loop3A_161 : i32 to index
          %parallel_loop3A_164 = arith.index_cast %parallel_loop3A_159 : i32 to index
          %parallel_loop3A_165 = tpu.vector_load %arg5[%parallel_loop3A_162, %parallel_loop3A_163, %parallel_loop3A_164] {strides = array<i32>} : memref<3x8x2048xf32, #tpu.memory_space<vmem>>, vector<1x1x16xf32>,
          %parallel_loop3A_166 = vector.shape_cast %parallel_loop3A_165 : vector<1x1x16xf32> to vector<16xf32>
          %parallel_loop3A_167 = vector.shape_cast %parallel_loop3A_157 : vector<16xf32> to vector<1x1x16xf32>
          tpu.vector_store %arg5[%parallel_loop3A_162, %parallel_loop3A_163, %parallel_loop3A_164], %parallel_loop3A_167 {strides = array<i32>} : memref<3x8x2048xf32, #tpu.memory_space<vmem>>, vector<1x1x16xf32>,
          %parallel_loop3A_168 = arith.constant 16 : i32
          %parallel_loop3A_169 = arith.muli %parallel_loop3A_151, %parallel_loop3A_168 : i32
          %parallel_loop3A_170 = arith.addi %sub3A_109, %parallel_loop3A_169 : i32
          %parallel_loop3A_171 = arith.index_cast %parallel_loop3A_170 : i32 to index
          %parallel_loop3A_172 = tpu.vector_load %arg4[%parallel_loop3A_171] {strides = array<i32>} : memref<4096xf32, #tpu.memory_space<vmem>>, vector<16xf32>,
          %parallel_loop3A_173 = vector.shape_cast %parallel_loop3A_172 : vector<16xf32> to vector<16xf32>
          %parallel_loop3A_174 = arith.constant 16 : i32
          %parallel_loop3A_175 = arith.muli %parallel_loop3A_151, %parallel_loop3A_174 : i32
          %parallel_loop3A_176 = arith.constant 2 : i32
          %parallel_loop3A_177 = arith.constant 1 : i32
          %parallel_loop3A_178 = arith.index_cast %parallel_loop3A_176 : i32 to index
          %parallel_loop3A_179 = arith.index_cast %parallel_loop3A_177 : i32 to index
          %parallel_loop3A_180 = arith.index_cast %parallel_loop3A_175 : i32 to index
          %parallel_loop3A_181 = tpu.vector_load %arg5[%parallel_loop3A_178, %parallel_loop3A_179, %parallel_loop3A_180] {strides = array<i32>} : memref<3x8x2048xf32, #tpu.memory_space<vmem>>, vector<1x1x16xf32>,
          %parallel_loop3A_182 = vector.shape_cast %parallel_loop3A_181 : vector<1x1x16xf32> to vector<16xf32>
          %parallel_loop3A_183 = vector.shape_cast %parallel_loop3A_173 : vector<16xf32> to vector<1x1x16xf32>
          tpu.vector_store %arg5[%parallel_loop3A_178, %parallel_loop3A_179, %parallel_loop3A_180], %parallel_loop3A_183 {strides = array<i32>} : memref<3x8x2048xf32, #tpu.memory_space<vmem>>, vector<1x1x16xf32>,
          %parallel_loop3A_184 = arith.constant 16 : i32
          %parallel_loop3A_185 = arith.muli %parallel_loop3A_151, %parallel_loop3A_184 : i32
          %parallel_loop3A_186 = arith.addi %sub3A_113, %parallel_loop3A_185 : i32
          %parallel_loop3A_187 = arith.index_cast %parallel_loop3A_186 : i32 to index
          %parallel_loop3A_188 = tpu.vector_load %arg4[%parallel_loop3A_187] {strides = array<i32>} : memref<4096xf32, #tpu.memory_space<vmem>>, vector<16xf32>,
          %parallel_loop3A_189 = vector.shape_cast %parallel_loop3A_188 : vector<16xf32> to vector<16xf32>
          %parallel_loop3A_190 = arith.constant 16 : i32
          %parallel_loop3A_191 = arith.muli %parallel_loop3A_151, %parallel_loop3A_190 : i32
          %parallel_loop3A_192 = arith.constant 2 : i32
          %parallel_loop3A_193 = arith.constant 2 : i32
          %parallel_loop3A_194 = arith.index_cast %parallel_loop3A_192 : i32 to index
          %parallel_loop3A_195 = arith.index_cast %parallel_loop3A_193 : i32 to index
          %parallel_loop3A_196 = arith.index_cast %parallel_loop3A_191 : i32 to index
          %parallel_loop3A_197 = tpu.vector_load %arg5[%parallel_loop3A_194, %parallel_loop3A_195, %parallel_loop3A_196] {strides = array<i32>} : memref<3x8x2048xf32, #tpu.memory_space<vmem>>, vector<1x1x16xf32>,
          %parallel_loop3A_198 = vector.shape_cast %parallel_loop3A_197 : vector<1x1x16xf32> to vector<16xf32>
          %parallel_loop3A_199 = vector.shape_cast %parallel_loop3A_189 : vector<16xf32> to vector<1x1x16xf32>
          tpu.vector_store %arg5[%parallel_loop3A_194, %parallel_loop3A_195, %parallel_loop3A_196], %parallel_loop3A_199 {strides = array<i32>} : memref<3x8x2048xf32, #tpu.memory_space<vmem>>, vector<1x1x16xf32>,
          %parallel_loop3A_200 = arith.constant 16 : i32
          %parallel_loop3A_201 = arith.muli %parallel_loop3A_151, %parallel_loop3A_200 : i32
          %parallel_loop3A_202 = arith.addi %sub3A_117, %parallel_loop3A_201 : i32
          %parallel_loop3A_203 = arith.index_cast %parallel_loop3A_202 : i32 to index
          %parallel_loop3A_204 = tpu.vector_load %arg4[%parallel_loop3A_203] {strides = array<i32>} : memref<4096xf32, #tpu.memory_space<vmem>>, vector<16xf32>,
          %parallel_loop3A_205 = vector.shape_cast %parallel_loop3A_204 : vector<16xf32> to vector<16xf32>
          %parallel_loop3A_206 = arith.constant 16 : i32
          %parallel_loop3A_207 = arith.muli %parallel_loop3A_151, %parallel_loop3A_206 : i32
          %parallel_loop3A_208 = arith.constant 2 : i32
          %parallel_loop3A_209 = arith.constant 3 : i32
          %parallel_loop3A_210 = arith.index_cast %parallel_loop3A_208 : i32 to index
          %parallel_loop3A_211 = arith.index_cast %parallel_loop3A_209 : i32 to index
          %parallel_loop3A_212 = arith.index_cast %parallel_loop3A_207 : i32 to index
          %parallel_loop3A_213 = tpu.vector_load %arg5[%parallel_loop3A_210, %parallel_loop3A_211, %parallel_loop3A_212] {strides = array<i32>} : memref<3x8x2048xf32, #tpu.memory_space<vmem>>, vector<1x1x16xf32>,
          %parallel_loop3A_214 = vector.shape_cast %parallel_loop3A_213 : vector<1x1x16xf32> to vector<16xf32>
          %parallel_loop3A_215 = vector.shape_cast %parallel_loop3A_205 : vector<16xf32> to vector<1x1x16xf32>
          tpu.vector_store %arg5[%parallel_loop3A_210, %parallel_loop3A_211, %parallel_loop3A_212], %parallel_loop3A_215 {strides = array<i32>} : memref<3x8x2048xf32, #tpu.memory_space<vmem>>, vector<1x1x16xf32>,
          %parallel_loop3A_216 = arith.constant 16 : i32
          %parallel_loop3A_217 = arith.muli %parallel_loop3A_151, %parallel_loop3A_216 : i32
          %parallel_loop3A_218 = arith.addi %sub3A_121, %parallel_loop3A_217 : i32
          %parallel_loop3A_219 = arith.index_cast %parallel_loop3A_218 : i32 to index
          %parallel_loop3A_220 = tpu.vector_load %arg4[%parallel_loop3A_219] {strides = array<i32>} : memref<4096xf32, #tpu.memory_space<vmem>>, vector<16xf32>,
          %parallel_loop3A_221 = vector.shape_cast %parallel_loop3A_220 : vector<16xf32> to vector<16xf32>
          %parallel_loop3A_222 = arith.constant 16 : i32
          %parallel_loop3A_223 = arith.muli %parallel_loop3A_151, %parallel_loop3A_222 : i32
          %parallel_loop3A_224 = arith.constant 2 : i32
          %parallel_loop3A_225 = arith.constant 4 : i32
          %parallel_loop3A_226 = arith.index_cast %parallel_loop3A_224 : i32 to index
          %parallel_loop3A_227 = arith.index_cast %parallel_loop3A_225 : i32 to index
          %parallel_loop3A_228 = arith.index_cast %parallel_loop3A_223 : i32 to index
          %parallel_loop3A_229 = tpu.vector_load %arg5[%parallel_loop3A_226, %parallel_loop3A_227, %parallel_loop3A_228] {strides = array<i32>} : memref<3x8x2048xf32, #tpu.memory_space<vmem>>, vector<1x1x16xf32>,
          %parallel_loop3A_230 = vector.shape_cast %parallel_loop3A_229 : vector<1x1x16xf32> to vector<16xf32>
          %parallel_loop3A_231 = vector.shape_cast %parallel_loop3A_221 : vector<16xf32> to vector<1x1x16xf32>
          tpu.vector_store %arg5[%parallel_loop3A_226, %parallel_loop3A_227, %parallel_loop3A_228], %parallel_loop3A_231 {strides = array<i32>} : memref<3x8x2048xf32, #tpu.memory_space<vmem>>, vector<1x1x16xf32>,
          %parallel_loop3A_232 = arith.constant 16 : i32
          %parallel_loop3A_233 = arith.muli %parallel_loop3A_151, %parallel_loop3A_232 : i32
          %parallel_loop3A_234 = arith.addi %sub3A_125, %parallel_loop3A_233 : i32
          %parallel_loop3A_235 = arith.index_cast %parallel_loop3A_234 : i32 to index
          %parallel_loop3A_236 = tpu.vector_load %arg4[%parallel_loop3A_235] {strides = array<i32>} : memref<4096xf32, #tpu.memory_space<vmem>>, vector<16xf32>,
          %parallel_loop3A_237 = vector.shape_cast %parallel_loop3A_236 : vector<16xf32> to vector<16xf32>
          %parallel_loop3A_238 = arith.constant 16 : i32
          %parallel_loop3A_239 = arith.muli %parallel_loop3A_151, %parallel_loop3A_238 : i32
          %parallel_loop3A_240 = arith.constant 2 : i32
          %parallel_loop3A_241 = arith.constant 5 : i32
          %parallel_loop3A_242 = arith.index_cast %parallel_loop3A_240 : i32 to index
          %parallel_loop3A_243 = arith.index_cast %parallel_loop3A_241 : i32 to index
          %parallel_loop3A_244 = arith.index_cast %parallel_loop3A_239 : i32 to index
          %parallel_loop3A_245 = tpu.vector_load %arg5[%parallel_loop3A_242, %parallel_loop3A_243, %parallel_loop3A_244] {strides = array<i32>} : memref<3x8x2048xf32, #tpu.memory_space<vmem>>, vector<1x1x16xf32>,
          %parallel_loop3A_246 = vector.shape_cast %parallel_loop3A_245 : vector<1x1x16xf32> to vector<16xf32>
          %parallel_loop3A_247 = vector.shape_cast %parallel_loop3A_237 : vector<16xf32> to vector<1x1x16xf32>
          tpu.vector_store %arg5[%parallel_loop3A_242, %parallel_loop3A_243, %parallel_loop3A_244], %parallel_loop3A_247 {strides = array<i32>} : memref<3x8x2048xf32, #tpu.memory_space<vmem>>, vector<1x1x16xf32>,
          %parallel_loop3A_248 = arith.constant 16 : i32
          %parallel_loop3A_249 = arith.muli %parallel_loop3A_151, %parallel_loop3A_248 : i32
          %parallel_loop3A_250 = arith.addi %sub3A_129, %parallel_loop3A_249 : i32
          %parallel_loop3A_251 = arith.index_cast %parallel_loop3A_250 : i32 to index
          %parallel_loop3A_252 = tpu.vector_load %arg4[%parallel_loop3A_251] {strides = array<i32>} : memref<4096xf32, #tpu.memory_space<vmem>>, vector<16xf32>,
          %parallel_loop3A_253 = vector.shape_cast %parallel_loop3A_252 : vector<16xf32> to vector<16xf32>
          %parallel_loop3A_254 = arith.constant 16 : i32
          %parallel_loop3A_255 = arith.muli %parallel_loop3A_151, %parallel_loop3A_254 : i32
          %parallel_loop3A_256 = arith.constant 2 : i32
          %parallel_loop3A_257 = arith.constant 6 : i32
          %parallel_loop3A_258 = arith.index_cast %parallel_loop3A_256 : i32 to index
          %parallel_loop3A_259 = arith.index_cast %parallel_loop3A_257 : i32 to index
          %parallel_loop3A_260 = arith.index_cast %parallel_loop3A_255 : i32 to index
          %parallel_loop3A_261 = tpu.vector_load %arg5[%parallel_loop3A_258, %parallel_loop3A_259, %parallel_loop3A_260] {strides = array<i32>} : memref<3x8x2048xf32, #tpu.memory_space<vmem>>, vector<1x1x16xf32>,
          %parallel_loop3A_262 = vector.shape_cast %parallel_loop3A_261 : vector<1x1x16xf32> to vector<16xf32>
          %parallel_loop3A_263 = vector.shape_cast %parallel_loop3A_253 : vector<16xf32> to vector<1x1x16xf32>
          tpu.vector_store %arg5[%parallel_loop3A_258, %parallel_loop3A_259, %parallel_loop3A_260], %parallel_loop3A_263 {strides = array<i32>} : memref<3x8x2048xf32, #tpu.memory_space<vmem>>, vector<1x1x16xf32>,
          %parallel_loop3A_264 = arith.constant 16 : i32
          %parallel_loop3A_265 = arith.muli %parallel_loop3A_151, %parallel_loop3A_264 : i32
          %parallel_loop3A_266 = arith.addi %sub3A_133, %parallel_loop3A_265 : i32
          %parallel_loop3A_267 = arith.index_cast %parallel_loop3A_266 : i32 to index
          %parallel_loop3A_268 = tpu.vector_load %arg4[%parallel_loop3A_267] {strides = array<i32>} : memref<4096xf32, #tpu.memory_space<vmem>>, vector<16xf32>,
          %parallel_loop3A_269 = vector.shape_cast %parallel_loop3A_268 : vector<16xf32> to vector<16xf32>
          %parallel_loop3A_270 = arith.constant 16 : i32
          %parallel_loop3A_271 = arith.muli %parallel_loop3A_151, %parallel_loop3A_270 : i32
          %parallel_loop3A_272 = arith.constant 2 : i32
          %parallel_loop3A_273 = arith.constant 7 : i32
          %parallel_loop3A_274 = arith.index_cast %parallel_loop3A_272 : i32 to index
          %parallel_loop3A_275 = arith.index_cast %parallel_loop3A_273 : i32 to index
          %parallel_loop3A_276 = arith.index_cast %parallel_loop3A_271 : i32 to index
          %parallel_loop3A_277 = tpu.vector_load %arg5[%parallel_loop3A_274, %parallel_loop3A_275, %parallel_loop3A_276] {strides = array<i32>} : memref<3x8x2048xf32, #tpu.memory_space<vmem>>, vector<1x1x16xf32>,
          %parallel_loop3A_278 = vector.shape_cast %parallel_loop3A_277 : vector<1x1x16xf32> to vector<16xf32>
          %parallel_loop3A_279 = vector.shape_cast %parallel_loop3A_269 : vector<16xf32> to vector<1x1x16xf32>
          tpu.vector_store %arg5[%parallel_loop3A_274, %parallel_loop3A_275, %parallel_loop3A_276], %parallel_loop3A_279 {strides = array<i32>} : memref<3x8x2048xf32, #tpu.memory_space<vmem>>, vector<1x1x16xf32>,
        } {sc.loop_unroll_factor = 4 : i64, sc.parallel_access}
        %mul3A_136 = arith.constant 8 : i32
        %mul3A_137 = arith.muli %add3A_89, %mul3A_136 : i32
        %add3A_138 = arith.addi %mul3A_18, %mul3A_137 : i32
        %multiple_of3A = tpu.assume_multiple %add3A_138, 8 : i32
        %dma_start3A = arith.constant 2 : i32
        %dma_start3A_139 = arith.constant 0 : i32
        %dma_start3A_140 = arith.constant 0 : i32
        %dma_start3A_141 = tpu.memref_slice %arg5[%dma_start3A, %dma_start3A_139, %dma_start3A_140] : memref<3x8x2048xf32, #tpu.memory_space<vmem>> -> memref<1x8x2048xf32, #tpu.memory_space<vmem>>
        %dma_start3A_142 = tpu.memref_squeeze %dma_start3A_141 : memref<1x8x2048xf32, #tpu.memory_space<vmem>> -> memref<8x2048xf32, #tpu.memory_space<vmem>>
        %dma_start3A_143 = arith.constant 0 : i32
        %dma_start3A_144 = tpu.memref_slice %arg3[%multiple_of3A, %dma_start3A_143] : memref<32768x2048xf32, #tpu.memory_space<hbm>> -> memref<8x2048xf32, #tpu.memory_space<hbm>>
        %dma_start3A_145 = arith.constant 0 : i32
        %dma_start3A_146 = tpu.memref_slice %arg3[%multiple_of3A, %dma_start3A_145] : memref<32768x2048xf32, #tpu.memory_space<hbm>> -> memref<8x2048xf32, #tpu.memory_space<hbm>>
        %dma_start3A_147 = arith.constant 0 : i32
        %dma_start3A_148 = arith.constant 0 : i32
        %dma_start3A_149 = tpu.memref_slice %arg5[%dma_start3A, %dma_start3A_147, %dma_start3A_148] : memref<3x8x2048xf32, #tpu.memory_space<vmem>> -> memref<1x8x2048xf32, #tpu.memory_space<vmem>>
        %dma_start3A_150 = tpu.memref_squeeze %dma_start3A_149 : memref<1x8x2048xf32, #tpu.memory_space<vmem>> -> memref<8x2048xf32, #tpu.memory_space<vmem>>
        tpu.enqueue_dma source(%dma_start3A_150 : memref<8x2048xf32, #tpu.memory_space<vmem>>) target(%dma_start3A_146 : memref<8x2048xf32, #tpu.memory_space<hbm>>) target_semaphore(%arg6 : memref<!tpu.dma_semaphore, #tpu.memory_space<semaphore_mem>>)
      } else {
      }
    }
    %scan3A_25 = arith.constant 43 : i32
    %dma_wait3A = arith.constant 0 : i32
    %dma_wait3A_26 = arith.constant 0 : i32
    %dma_wait3A_27 = arith.constant 0 : i32
    %dma_wait3A_28 = tpu.memref_slice %arg5[%dma_wait3A, %dma_wait3A_26, %dma_wait3A_27] : memref<3x8x2048xf32, #tpu.memory_space<vmem>> -> memref<1x8x2048xf32, #tpu.memory_space<vmem>>
    %dma_wait3A_29 = tpu.memref_squeeze %dma_wait3A_28 : memref<1x8x2048xf32, #tpu.memory_space<vmem>> -> memref<8x2048xf32, #tpu.memory_space<vmem>>
    %dma_wait3A_30 = arith.constant 0 : i32
    %dma_wait3A_31 = arith.constant 0 : i32
    %dma_wait3A_32 = tpu.memref_slice %arg3[%dma_wait3A_30, %dma_wait3A_31] : memref<32768x2048xf32, #tpu.memory_space<hbm>> -> memref<8x2048xf32, #tpu.memory_space<hbm>>
    %dma_wait3A_33 = arith.constant 0 : i32
    %dma_wait3A_34 = arith.constant 0 : i32
    %dma_wait3A_35 = tpu.memref_slice %arg3[%dma_wait3A_33, %dma_wait3A_34] : memref<32768x2048xf32, #tpu.memory_space<hbm>> -> memref<8x2048xf32, #tpu.memory_space<hbm>>
    %dma_wait3A_36 = arith.constant 0 : i32
    %dma_wait3A_37 = arith.constant 0 : i32
    %dma_wait3A_38 = tpu.memref_slice %arg5[%dma_wait3A, %dma_wait3A_36, %dma_wait3A_37] : memref<3x8x2048xf32, #tpu.memory_space<vmem>> -> memref<1x8x2048xf32, #tpu.memory_space<vmem>>
    %dma_wait3A_39 = tpu.memref_squeeze %dma_wait3A_38 : memref<1x8x2048xf32, #tpu.memory_space<vmem>> -> memref<8x2048xf32, #tpu.memory_space<vmem>>
    tpu.wait_dma2 semaphore(%arg6 : memref<!tpu.dma_semaphore, #tpu.memory_space<semaphore_mem>>) src(%dma_wait3A_39 : memref<8x2048xf32, #tpu.memory_space<vmem>>) dst(%dma_wait3A_35 : memref<8x2048xf32, #tpu.memory_space<hbm>>)
    %dma_wait3A_40 = arith.constant 0 : i32
    %dma_wait3A_41 = arith.constant 0 : i32
    %dma_wait3A_42 = arith.constant 0 : i32
    %dma_wait3A_43 = tpu.memref_slice %arg5[%dma_wait3A_40, %dma_wait3A_41, %dma_wait3A_42] : memref<3x8x2048xf32, #tpu.memory_space<vmem>> -> memref<1x8x2048xf32, #tpu.memory_space<vmem>>
    %dma_wait3A_44 = tpu.memref_squeeze %dma_wait3A_43 : memref<1x8x2048xf32, #tpu.memory_space<vmem>> -> memref<8x2048xf32, #tpu.memory_space<vmem>>
    %dma_wait3A_45 = arith.constant 0 : i32
    %dma_wait3A_46 = arith.constant 0 : i32
    %dma_wait3A_47 = tpu.memref_slice %arg3[%dma_wait3A_45, %dma_wait3A_46] : memref<32768x2048xf32, #tpu.memory_space<hbm>> -> memref<8x2048xf32, #tpu.memory_space<hbm>>
    %dma_wait3A_48 = arith.constant 0 : i32
    %dma_wait3A_49 = arith.constant 0 : i32
    %dma_wait3A_50 = tpu.memref_slice %arg3[%dma_wait3A_48, %dma_wait3A_49] : memref<32768x2048xf32, #tpu.memory_space<hbm>> -> memref<8x2048xf32, #tpu.memory_space<hbm>>
    %dma_wait3A_51 = arith.constant 0 : i32
    %dma_wait3A_52 = arith.constant 0 : i32
    %dma_wait3A_53 = tpu.memref_slice %arg5[%dma_wait3A_40, %dma_wait3A_51, %dma_wait3A_52] : memref<3x8x2048xf32, #tpu.memory_space<vmem>> -> memref<1x8x2048xf32, #tpu.memory_space<vmem>>
    %dma_wait3A_54 = tpu.memref_squeeze %dma_wait3A_53 : memref<1x8x2048xf32, #tpu.memory_space<vmem>> -> memref<8x2048xf32, #tpu.memory_space<vmem>>
    tpu.wait_dma2 semaphore(%arg6 : memref<!tpu.dma_semaphore, #tpu.memory_space<semaphore_mem>>) src(%dma_wait3A_54 : memref<8x2048xf32, #tpu.memory_space<vmem>>) dst(%dma_wait3A_50 : memref<8x2048xf32, #tpu.memory_space<hbm>>)
    %dma_wait3A_55 = arith.constant 0 : i32
    %dma_wait3A_56 = arith.constant 0 : i32
    %dma_wait3A_57 = arith.constant 0 : i32
    %dma_wait3A_58 = tpu.memref_slice %arg5[%dma_wait3A_55, %dma_wait3A_56, %dma_wait3A_57] : memref<3x8x2048xf32, #tpu.memory_space<vmem>> -> memref<1x8x2048xf32, #tpu.memory_space<vmem>>
    %dma_wait3A_59 = tpu.memref_squeeze %dma_wait3A_58 : memref<1x8x2048xf32, #tpu.memory_space<vmem>> -> memref<8x2048xf32, #tpu.memory_space<vmem>>
    %dma_wait3A_60 = arith.constant 0 : i32
    %dma_wait3A_61 = arith.constant 0 : i32
    %dma_wait3A_62 = tpu.memref_slice %arg3[%dma_wait3A_60, %dma_wait3A_61] : memref<32768x2048xf32, #tpu.memory_space<hbm>> -> memref<8x2048xf32, #tpu.memory_space<hbm>>
    %dma_wait3A_63 = arith.constant 0 : i32
    %dma_wait3A_64 = arith.constant 0 : i32
    %dma_wait3A_65 = tpu.memref_slice %arg3[%dma_wait3A_63, %dma_wait3A_64] : memref<32768x2048xf32, #tpu.memory_space<hbm>> -> memref<8x2048xf32, #tpu.memory_space<hbm>>
    %dma_wait3A_66 = arith.constant 0 : i32
    %dma_wait3A_67 = arith.constant 0 : i32
    %dma_wait3A_68 = tpu.memref_slice %arg5[%dma_wait3A_55, %dma_wait3A_66, %dma_wait3A_67] : memref<3x8x2048xf32, #tpu.memory_space<vmem>> -> memref<1x8x2048xf32, #tpu.memory_space<vmem>>
    %dma_wait3A_69 = tpu.memref_squeeze %dma_wait3A_68 : memref<1x8x2048xf32, #tpu.memory_space<vmem>> -> memref<8x2048xf32, #tpu.memory_space<vmem>>
    tpu.wait_dma2 semaphore(%arg6 : memref<!tpu.dma_semaphore, #tpu.memory_space<semaphore_mem>>) src(%dma_wait3A_69 : memref<8x2048xf32, #tpu.memory_space<vmem>>) dst(%dma_wait3A_65 : memref<8x2048xf32, #tpu.memory_space<hbm>>)
    return
  }
}

module attributes {stable_mosaic.version = 14 : i64} {
  func.func @_table_body(%arg0: memref<1xi32, #tpu.memory_space<smem>>, %arg1: memref<16x32xf32, #tpu.memory_space<vmem>>, %arg2: memref<16x4096xf32, #tpu.memory_space<vmem>>) attributes {dimension_semantics = [], scalar_prefetch = 0 : i64, scratch_operands = 0 : i64, tpu.core_type = #tpu.core_type<tc>} {
    %get3A = arith.constant 0 : index
    %get3A_0 = memref.load %arg0[%get3A] : memref<1xi32, #tpu.memory_space<smem>>
    %iota3A = tpu.iota {dimensions = array<i32: 1>} : vector<1x4096xi32>
    %sub3A = arith.constant 2047 : i32
    %sub3A_1 = vector.broadcast %sub3A : i32 to vector<1x4096xi32>
    %sub3A_2 = arith.subi %iota3A, %sub3A_1 : vector<1x4096xi32>
    %add3A = vector.broadcast %get3A_0 : i32 to vector<1x4096xi32>
    %add3A_3 = arith.addi %sub3A_2, %add3A : vector<1x4096xi32>
    %neg3A = arith.constant 0 : i32
    %neg3A_4 = vector.broadcast %neg3A : i32 to vector<1x4096xi32>
    %neg3A_5 = arith.subi %neg3A_4, %add3A_3 : vector<1x4096xi32>
    %lt3A = arith.constant 0 : i32
    %lt3A_6 = vector.broadcast %lt3A : i32 to vector<1x4096xi32>
    %lt3A_7 = arith.cmpi slt, %neg3A_5, %lt3A_6 : vector<1x4096xi32>
    %jit3A = arith.constant 16 : i32
    %jit3A_8 = arith.constant 0 : i32
    %broadcast_in_dim3A = vector.broadcast %jit3A : i32 to vector<1x4096xi32>
    %broadcast_in_dim3A_9 = vector.broadcast %jit3A_8 : i32 to vector<1x4096xi32>
    %select_n3A = arith.select %lt3A_7, %broadcast_in_dim3A, %broadcast_in_dim3A_9 : vector<1x4096xi1>, vector<1x4096xi32>
    %abs3A = math.absi %neg3A_5 : vector<1x4096xi32>
    %lt3A_10 = arith.constant 8 : i32
    %lt3A_11 = vector.broadcast %lt3A_10 : i32 to vector<1x4096xi32>
    %lt3A_12 = arith.cmpi slt, %abs3A, %lt3A_11 : vector<1x4096xi32>
    %convert_element_type3A = arith.sitofp %abs3A : vector<1x4096xi32> to vector<1x4096xf32>
    %div3A = arith.constant 8.000000e+00 : f32
    %div3A_13 = vector.broadcast %div3A : f32 to vector<1x4096xf32>
    %div3A_14 = arith.divf %convert_element_type3A, %div3A_13 : vector<1x4096xf32>
    %add3A_15 = arith.constant 1.1920929E-7 : f32
    %add3A_16 = vector.broadcast %add3A_15 : f32 to vector<1x4096xf32>
    %add3A_17 = arith.addf %div3A_14, %add3A_16 : vector<1x4096xf32>
    %log3A = math.log %add3A_17 : vector<1x4096xf32>
    %log3A_18 = arith.constant 1.600000e+01 : f32
    %log3A_19 = math.log %log3A_18 : f32
    %div3A_20 = vector.broadcast %log3A_19 : f32 to vector<1x4096xf32>
    %div3A_21 = arith.divf %log3A, %div3A_20 : vector<1x4096xf32>
    %mul3A = arith.constant 8.000000e+00 : f32
    %mul3A_22 = vector.broadcast %mul3A : f32 to vector<1x4096xf32>
    %mul3A_23 = arith.mulf %div3A_21, %mul3A_22 : vector<1x4096xf32>
    %convert_element_type3A_24 = arith.fptosi %mul3A_23 : vector<1x4096xf32> to vector<1x4096xi32>
    %add3A_25 = arith.constant 8 : i32
    %add3A_26 = vector.broadcast %add3A_25 : i32 to vector<1x4096xi32>
    %add3A_27 = arith.addi %add3A_26, %convert_element_type3A_24 : vector<1x4096xi32>
    %min3A = arith.constant 15 : i32
    %min3A_28 = vector.broadcast %min3A : i32 to vector<1x4096xi32>
    %min3A_29 = arith.minsi %add3A_27, %min3A_28 : vector<1x4096xi32>
    %select_n3A_30 = arith.select %lt3A_12, %abs3A, %min3A_29 : vector<1x4096xi1>, vector<1x4096xi32>
    %add3A_31 = arith.addi %select_n3A, %select_n3A_30 : vector<1x4096xi32>
    %iota3A_32 = tpu.iota {dimensions = array<i32: 0>} : vector<32x4096xi32>
    %eq3A = vector.broadcast %add3A_31 : vector<1x4096xi32> to vector<32x4096xi32>
    %eq3A_33 = arith.cmpi eq, %eq3A, %iota3A_32 : vector<32x4096xi32>
    %convert_element_type3A_34 = arith.extui %eq3A_33 : vector<32x4096xi1> to vector<32x4096xi32>
    %convert_element_type3A_35 = arith.sitofp %convert_element_type3A_34 : vector<32x4096xi32> to vector<32x4096xf32>
    %get3A_36 = arith.constant 0 : index
    %get3A_37 = arith.constant 0 : index
    %get3A_38 = vector.load %arg1[%get3A_36, %get3A_37] : memref<16x32xf32, #tpu.memory_space<vmem>>, vector<16x32xf32>
    %dot_general3A = arith.constant dense<0.000000e+00> : vector<16x4096xf32>
    %dot_general3A_39 = tpu.matmul %get3A_38, %convert_element_type3A_35, %dot_general3A {dimension_numbers = #tpu.dot_dimension_numbers<[1], [0], [0], [1], [0, 0, 1, 1], [], []>, transpose_lhs_hint = false} : vector<16x32xf32>, vector<32x4096xf32>, vector<16x4096xf32> -> vector<16x4096xf32>
    %swap3A = arith.constant 0 : index
    %swap3A_40 = arith.constant 0 : index
    %swap3A_41 = vector.load %arg2[%swap3A, %swap3A_40] : memref<16x4096xf32, #tpu.memory_space<vmem>>, vector<16x4096xf32>
    tpu.vector_store %arg2[%swap3A, %swap3A_40], %dot_general3A_39 {strides = array<i32>} : memref<16x4096xf32, #tpu.memory_space<vmem>>, vector<16x4096xf32>,
    return
  }
}

</mosaic_0001>

<sc_bundles>
// kernel: kernel.4.cloned.1.call-start
scs
__scs_entry_jumppad:
0x0: {  	(pc) =	sbr.rel $0x88, $3  }
0x1: {  	(tag) =	ssettag $0x0;
	lr =	simm.s32 $0x1  }
0x2: {  	[smem:$0x3F9E] =	sst lr;
	_ =	strace $0xD0000000  }
0x3: {  	_ = 	snop  }
0x4: {  	_ = 	snop  }
0x5: {  	_ = 	snop  }
0x6: {  	_ = 	snop  }
0x7: {  	_ = 	snop  }
__scs_overlays_trampoline_lowered:
0x8: {  	[smem:$0x3FAD] =	sst s0  }
0x9: {  	[smem:$0x3FAE] =	sst s1  }
0xa: {  	[smem:$0x3FAF] =	sst s2  }
0xb: {  	[smem:$0x3FB0] =	sst s3  }
0xc: {  	[smem:$0x3FB1] =	sst s4  }
0xd: {  	[smem:$0x3FB2] =	sst s5  }
0xe: {  	[smem:$0x3FB3] =	sst s6  }
0xf: {  	[smem:$0x3FB4] =	sst s7  }
0x10: {  	[smem:$0x3FB5] =	sst s8  }
0x11: {  	[smem:$0x3FB6] =	sst s9;
	s0 =	simm.s32 @!p0 $0x0  }
0x12: {  	s1 =	sld [smem:$0x3F9C];
	s0 =	simm.s32 @p0 $0x1  }
0x13: {  	[smem:$0x3FB7] =	sst s0;
	s0 =	simm.s32 @!p1 $0x0  }
0x14: {  	s2 =	sld [smem:$0x3F9B];
	s0 =	simm.s32 @p1 $0x1  }
0x15: {  	[smem:$0x3FB8] =	sst s0;
	s0 =	simm.s32 @!p2 $0x0  }
0x16: {  	s3 =	sld [smem:$0x3FDB];
	s0 =	simm.s32 @p2 $0x1  }
0x17: {  	s4 =	simm.s32 $0x1BF5;
	[smem:$0x3FBA] =	sst s0  }
0x18: {  	s0 =	sld [smem:$0x3F9D];
	_ =	swait.ge [sflag:s4], $0x0  }
0x19: {  	s7 =	sld [smem:$0x3F9E]  }
0x1a: {  	s8 =	sadd.s32 $0xFFFFE003, lr  }
0x1b: {  	s9 =	sadd.s32 $0xFFFFFEF7, lr;
	s5 =	simm.s32 $0xFFFFFFFF;
	p2 =	slt.u32 s8, $0xFFFFF086  }
0x1c: {  	p1 =	slt.u32 s9, $0xF7A;
	s5 =	simm.s32 @!p2 $0x0  }
0x1d: {  	s5 =	simm.s32 @p1 $0x1;
	p0 =	seq.s32 s7, s2  }
0x1e: {  	s7 =	smul.u32 @!p0 $0xF7A, s2;
	p2 =	seq.s32 @!p0 s5, $0x0  }
0x1f: {  	s9 =	smul.u32 $0xF7A, s1;
	s8 =	simm.s32 @!p0 $0x1BF5;
	p2 =	por !p2, p0  }
0x20: {  	[sflag:s8] =	ssyncset.s32 @!p0 $0xFFFFF086;
	s6 =	sadd.s32 @!p0 s3, s7;
	s7 =	simm.s32 @!p0 $0x108  }
0x21: {  	s3 =	sadd.s32 s3, s9;
	s6 =	sadd.s32 @!p0 $0x88, s6;
	s7 =	simm.s32 @p2 $0x1082  }
0x22: {  	[simem:s7], [sflag:s8] =	dma.local @!p0 [hbm:s6], $0xF7A  }
0x23: {  	s9 =	sor.u32 $0xD0000000, s2;
	s6 =	simm.s32 $0x108;
	_ =	swait.ge @!p0 [sflag:s8], $0x0  }
0x24: {  	s3 =	sadd.s32 $0x88, s3;
	s6 =	simm.s32 @!p1 $0x1082;
	[sflag:s4] =	ssyncset.s32 $0xFFFFF086  }
0x25: {  	[simem:s6], [sflag:s4] =	dma.local [hbm:s3], $0xF7A  }
0x26: {  	[smem:$0x3F9E] =	sst s1;
	(tag) =	ssettag s2;
	_ =	strace s9  }
0x27: {  	s1 =	sld [smem:$0x3FAE]  }
0x28: {  	s2 =	sld [smem:$0x3FAF]  }
0x29: {  	s4 =	sld [smem:$0x3FB1]  }
0x2a: {  	p0 =	seq.s32 s5, $0x0;
	s5 =	sld [smem:$0x3FB2]  }
0x2b: {  	s6 =	sld [smem:$0x3FB3]  }
0x2c: {  	s7 =	sld [smem:$0x3FB4]  }
0x2d: {  	s3 =	simm.s32 $0x108;
	s8 =	sld [smem:$0x3FB5]  }
0x2e: {  	s3 =	simm.s32 @!p0 $0x1082;
	s9 =	sld [smem:$0x3FB6]  }
0x2f: {  	lr =	sadd.s32 s0, s3;
	s0 =	sld [smem:$0x3FAD]  }
0x30: {  	s3 =	sld [smem:$0x3FB0]  }
0x31: {  	[smem:$0x3FB9] =	sst s10  }
0x32: {  	s10 =	sld [smem:$0x3FB7];
	_ =	sdelay $0x3  }
0x33: {  	p0 =	seq.s32 s10, $0x1;
	s10 =	sld [smem:$0x3FB9];
	_ =	sdelay $0x3  }
0x34: {  	[smem:$0x3FB9] =	sst s10  }
0x35: {  	s10 =	sld [smem:$0x3FB8];
	_ =	sdelay $0x3  }
0x36: {  	p1 =	seq.s32 s10, $0x1;
	s10 =	sld [smem:$0x3FB9];
	_ =	sdelay $0x3  }
0x37: {  	[smem:$0x3FB9] =	sst s10  }
0x38: {  	s10 =	sld [smem:$0x3FBA]  }
0x39: {  	_ = 	snop;
	(pc) =	sbr.ind lr, $3  }
0x3a: {  	_ = 	snop  }
0x3b: {  	_ = 	snop  }
0x3c: {  	p2 =	seq.s32 s10, $0x1;
	s10 =	sld [smem:$0x3FB9]  }
0x3d: {  	_ =	shalt  }
0x3e: {  	_ =	shalt  }
0x3f: {  	_ =	shalt  }
0x40: {  	_ =	shalt  }
0x41: {  	_ =	shalt  }
0x42: {  	_ =	shalt  }
0x43: {  	_ =	shalt  }
0x44: {  	_ =	shalt  }
0x45: {  	_ =	shalt  }
0x46: {  	_ =	shalt  }
0x47: {  	_ =	shalt  }
0x48: {  	_ =	shalt  }
0x49: {  	_ =	shalt  }
0x4a: {  	_ =	shalt  }
0x4b: {  	_ =	shalt  }
0x4c: {  	_ =	shalt  }
0x4d: {  	_ =	shalt  }
0x4e: {  	_ =	shalt  }
0x4f: {  	_ =	shalt  }
0x50: {  	_ =	shalt  }
0x51: {  	_ =	shalt  }
0x52: {  	_ =	shalt  }
0x53: {  	_ =	shalt  }
0x54: {  	_ =	shalt  }
0x55: {  	_ =	shalt  }
0x56: {  	_ =	shalt  }
0x57: {  	_ =	shalt  }
0x58: {  	_ =	shalt  }
0x59: {  	_ =	shalt  }
0x5a: {  	_ =	shalt  }
0x5b: {  	_ =	shalt  }
0x5c: {  	_ =	shalt  }
0x5d: {  	_ =	shalt  }
0x5e: {  	_ =	shalt  }
0x5f: {  	_ =	shalt  }
0x60: {  	_ =	shalt  }
0x61: {  	_ =	shalt  }
0x62: {  	_ =	shalt  }
0x63: {  	_ =	shalt  }
0x64: {  	_ =	shalt  }
0x65: {  	_ =	shalt  }
0x66: {  	_ =	shalt  }
0x67: {  	_ =	shalt  }
0x68: {  	_ =	shalt  }
0x69: {  	_ =	shalt  }
0x6a: {  	_ =	shalt  }
0x6b: {  	_ =	shalt  }
0x6c: {  	_ =	shalt  }
0x6d: {  	_ =	shalt  }
0x6e: {  	_ =	shalt  }
0x6f: {  	_ =	shalt  }
0x70: {  	_ =	shalt  }
0x71: {  	_ =	shalt  }
0x72: {  	_ =	shalt  }
0x73: {  	_ =	shalt  }
0x74: {  	_ =	shalt  }
0x75: {  	_ =	shalt  }
0x76: {  	_ =	shalt  }
0x77: {  	_ =	shalt  }
0x78: {  	_ =	shalt  }
0x79: {  	_ =	shalt  }
0x7a: {  	_ =	shalt  }
0x7b: {  	_ =	shalt  }
0x7c: {  	_ =	shalt  }
0x7d: {  	_ =	shalt  }
0x7e: {  	_ =	shalt  }
0x7f: {  	_ =	shalt  }
0x80: {  	_ =	shalt  }
0x81: {  	_ =	shalt  }
0x82: {  	_ =	shalt  }
0x83: {  	_ =	shalt  }
0x84: {  	_ =	shalt  }
0x85: {  	_ =	shalt  }
0x86: {  	_ =	shalt  }
0x87: {  	_ =	shalt  }
.Lfunc_end0:
.L_simem_size_0:
called_computation_lowered:
.L_overlay_start_0:
0x88: {  	s2 =	sld [smem:$0x3FD9]  }
0x89: {  	s3 =	sld [smem:$0x3FFE];
	_ =	sdelay $0x1  }
0x8a: {  	s1 =	srdreg.scid  }
0x8b: {  	s0 =	sand.u32 $0x1, s1  }
0x8c: {  	s17 =	sshll.u32 s0, $0xA;
	s2 =	sadd.s32 s3, s2  }
0x8d: {  	s2 =	sadd.s32 s2, s17  }
0x8e: {  	[smem:$0x3FC5] =	sst s2  }
0x8f: {  	_ = 	snop  }
0x90: {  	s2 =	sld [smem:$0x3FD0];
	(tm) =	ssettm $0x1  }
0x91: {  	s18 =	sld [smem:$0x3FFB];
	_ =	sdelay $0x3  }
0x92: {  	_ =	strace s18  }
0x93: {  	s3 =	sld [smem:$0x3FFC];
	_ =	sdelay $0x3  }
0x94: {  	_ =	strace s3  }
0x95: {  	s3 =	sld [smem:$0x3FFD];
	_ =	sdelay $0x3  }
0x96: {  	_ =	strace s3  }
0x97: {  	_ =	strace $0x8FFFFFFF  }
0x98: {  	s19 =	sld [smem:$0x3FDB];
	_ =	sdelay $0x1  }
0x99: {  	s4 =	simm.s32 $_scs_section_size  }
0x9a: {  	s5 =	simm.s32 $_size__tile_overlayer_lowered;
	s6 =	simm.s32 $_tile_overlayer_lowered  }
0x9b: {  	s22 =	simm.s32 $0x1BFF;
	s21 =	sshll.u32 s6, $0x1;
	s3 =	sadd.s32 s4, s19  }
0x9c: {  	s7 =	simm.s32 $0x0;
	s20 =	sshll.u32 s5, $0x1;
	s5 =	sadd.s32 s21, s3  }
0x9d: {  	[timem:s7], [sflag:s22] =	dma.local [hbm:s5], s20  }
0x9e: {  	_ =	swait.ge [sflag:s22], s20  }
0x9f: {  	s4 =	ssub.s32 $0x0, s20;
	[sflag:s22] =	ssyncset.done $0x0  }
0xa0: {  	[sflag:s22] =	ssyncadd.s32 s4;
	_ =	sdelay $0x1  }
0xa1: {  	s23 =	simm.s32 $0x1B8B  }
0xa2: {  	_ =	swait.ge [sflag:s23], $0x1  }
0xa3: {  	[sflag:s23] =	ssyncset.done $0x0  }
0xa4: {  	s25 =	simm.s32 $0x1B8E;
	s24 =	sld [smem:$0x3FFE];
	[sflag:s23] =	ssyncadd.s32 $0xFFFFFFFF  }
0xa5: {  	s26 =	simm.s32 $execute0_lowered;
	[smem:$0x3FD2] =	sst s25  }
0xa6: {  	s5 =	sshll.u32 s26, $0x1;
	_ =	strace $0x80000046;
	[dreg:$0x1] =	wrdreg $0xFFFFFFFF  }
0xa7: {  	s28 =	simm.s32 $_size_execute0_lowered;
	s3 =	sadd.s32 s3, s5;
	[dreg:$0x0] =	wrdreg $0x0  }
0xa8: {  	s5 =	sshll.u32 s28, $0x1;
	[dreg:$0x2] =	wrdreg s3  }
0xa9: {  	[dreg:$0x3] =	wrdreg s5  }
0xaa: {  	[dreg:$0x4] =	wrdreg $0xC0  }
0xab: {  	_ =	task [dreg:s7], $0x5FFFF  }
0xac: {  	[dreg:$0x1] =	wrdreg $0xFFFFFFFF  }
0xad: {  	[dreg:$0x0] =	wrdreg $0x60  }
0xae: {  	[dreg:$0x2] =	wrdreg s24  }
0xaf: {  	[dreg:$0x3] =	wrdreg s2  }
0xb0: {  	[dreg:$0x4] =	wrdreg $0x9  }
0xb1: {  	_ =	task.clear_ibuf [dreg:s7], $0x5FFFF;
	_ =	strace $0x90000046  }
0xb2: {  	s29 =	simm.s32 $0x9;
	_ =	strace $0x80000048  }
0xb3: {  	_ =	swait.ge [sflag:s29], $0x1  }
0xb4: {  	[sflag:s29] =	ssyncadd.s32 $0xFFFFFFFF  }
0xb5: {  	_ =	strace $0x90000048  }
0xb6: {  	_ =	sfence  }
0xb7: {  	s30 =	sld [smem:$0x0];
	_ =	sdelay $0x2  }
0xb8: {  	s31 =	sshll.u32 s1, $0xD;
	s1 =	sshrl.u32 s1, $0x2  }
0xb9: {  	s3 =	sand.u32 $0x4000, s31;
	s1 =	sadd.s32 s1, s30  }
0xba: {  	s0 =	sor.u32 s3, s0;
	s1 =	sshll.u32 s1, $0x11  }
0xbb: {  	s0 =	sor.u32 s1, s0  }
0xbc: {  	s0 =	sadd.s32 $0x8F2B, s0  }
0xbd: {  	[sflag:s0] =	ssyncadd.remote.s32 $0x1  }
0xbe: {  	_ =	sfence.sel $0xFFFF  }
0xbf: {  	[dreg:$0x0] =	wrdreg $0xFFFFFFFF;
	(pc) =	sbr.abs _section_cstart, $3  }
0xc0: {  	[dreg:$0x1] =	wrdreg $0xFFFFFFFF  }
0xc1: {  	_ =	task.clear_ibuf [dreg:s7], $0x2FFFF;
	_ =	strace $0x9FFFFFFF  }
0xc2: {  	(tm) =	ssettm $0x7FFFFFFF  }
0xc3: {  	_ =	shalt  }
tec
execute0_lowered:
.L_overlay_start_1:
0x0: {  	(tag) =	ssettag $0x1  }
0x1: {  	s0 =	srdreg.scid;
	s2 =	stileid.u32;
	s19 =	simm.s32 $0x0  }
0x2: {  	s3 =	simm.s32 $0x1;
	s0 =	sand.u32 $0x1, s0;
	[smem:$0x7FF] =	sst s19  }
0x3: {  	s4 =	rddreg [dreg:$0x0];
	s1 =	sshll.u32 s0, $0x4;
	_ =	strace $0x80000047  }
0x4: {  	s0 =	ssub.s32 $0x2, s0;
	s1 =	sor.u32 s2, s1;
	s2 =	sand.u32 $0x1, s2  }
0x5: {  	s26 =	sshrl.u32 s0, $0x1;
	p0 =	seq.s32 s1, $0x0;
	p1 =	seq.s32 s2, $0x1  }
0x6: {  	s5 =	sshrl.u32 s1, $0x1;
	s0 =	ssub.s32 s0, s26;
	p0 =	por !p0, !p1  }
0x7: {  	s2 =	sshll.u32 s2, $0xC;
	s20 =	sshll.u32 s1, $0xA;
	p0 =	por !p0, !p0  }
0x8: {  	s0 =	smax.u32 s0, $0x1;
	s28 =	ssub.s32 $0x20BC, s2;
	s3 =	simm.s32 @!p0 $0x0  }
0x9: {  	s29 =	ssub.s32 $0x209C, s2;
	s30 =	ssub.s32 $0x207C, s2;
	s3 =	ssub.s32 s5, s3  }
0xa: {  	[dreg:$0x4] =	wrdreg s20;
	s5 =	sshll.u32 s3, $0xC;
	s3 =	sshll.u32 s3, $0x7  }
0xb: {  	[dreg:$0x5] =	wrdreg s0;
	s5 =	sand.u32 $0xFFFF8000, s5;
	s3 =	sand.u32 $0x380, s3  }
.Ltmp0:
0xc: {  	s0 =	sshrl.u32 s28, $0x2;
	s3 =	sor.u32 s3, s5;
	(pc) =	sbr.rel .LBB2_1-.Ltmp0, $4  }
0xd: {  	s31 =	sshrl.u32 s30, $0x2;
	[dreg:$0x6] =	wrdreg s0;
	s3 =	sshrl.u32 s3, $0x3  }
0xe: {  	s0 =	sshrl.u32 s29, $0x2;
	[dreg:$0x8] =	wrdreg s31;
	s3 =	sadd.s32 s3, s4  }
0xf: {  	[dreg:$0x7] =	wrdreg s0;
	s3 =	sadd.s32 $0x800, s3  }
0x10: {  	s2 =	simm.s32 $0x0;
	[dreg:$0x3] =	wrdreg s3  }
.LBB2_12:
0x11: {  	s0 =	simm.s32 $0x1  }
0x12: {  	_ =	swait.ge [sflag:s0], $0x4000  }
0x13: {  	[sflag:s0] =	ssyncset.done $0x0  }
0x14: {  	[sflag:s0] =	ssyncadd.s32 $0xFFFFC000  }
0x15: {  	_ =	swait.ge [sflag:s0], $0x4000  }
0x16: {  	[sflag:s0] =	ssyncset.done $0x0  }
0x17: {  	[sflag:s0] =	ssyncadd.s32 $0xFFFFC000  }
0x18: {  	_ =	swait.ge [sflag:s0], $0x4000  }
0x19: {  	s2 =	rddreg [dreg:$0x9]  }
0x1a: {  	s1 =	rddreg [dreg:$0x5];
	s2 =	sadd.s32 $0x1, s2  }
0x1b: {  	p0 =	sne.s32 s2, s1  }
.Ltmp1:
0x1c: {  	_ = 	snop;
	(pc) =	sbr.rel @!p0 .LBB2_13-.Ltmp1, $3  }
0x1d: {  	_ =	sdelay $0x1  }
0x1e: {  	[sflag:s0] =	ssyncset.done $0x0  }
0x1f: {  	[sflag:s0] =	ssyncadd.s32 $0xFFFFC000  }
.LBB2_1:
0x20: {  	[dreg:$0x9] =	wrdreg s2  }
0x21: {  	s0 =	rddreg [dreg:$0x3]  }
0x22: {  	s1 =	simm.s32 $0x80;
	s30 =	simm.s32 $0x400;
	s31 =	simm.s32 $0x2  }
0x23: {  	[tilespmem:s19], [sflag:$0x2] =	stream.strided.gather [hbm4b:s0+s1], $0x1000, s30, s1, $0x38;
	[tilespmem:$0xD000] =	vst v63  }
0x24: {  	_ =	swait.ge [sflag:s31], $0x1000  }
0x25: {  	s21 =	rddreg [dreg:$0x8]  }
0x26: {  	[sflag:s31] =	ssyncset.done $0x0;
	s22 =	rddreg [dreg:$0x7]  }
0x27: {  	s11 =	simm.s32 $0x0;
	s4 =	rddreg [dreg:$0x6];
	[sflag:s31] =	ssyncadd.s32 $0xFFFFF000  }
.LBB2_2:
0x28: {  	[dreg:$0xb] =	wrdreg s22;
	p0 =	seq.s32 s11, $0x0  }
0x29: {  	[dreg:$0xa] =	wrdreg s21;
	s0 =	simm.s32 @!p0 $0x1  }
0x2a: {  	_ =	swait.ge @!p0 [sflag:s0], $0x4000  }
0x2b: {  	[sflag:s0] =	ssyncset.done @!p0 $0x0  }
0x2c: {  	[sflag:s0] =	ssyncadd.s32 @!p0 $0xFFFFC000  }
0x2d: {  	v0 =	vld [tilespmem:s4+$0x0]  }
0x2e: {  	s16 =	simm.s32 $0x0  }
0x2f: {  	s2 =	simm.s32 $0x30;
	s1 =	sand.u32 $0x3C00, s16  }
0x30: {  	s2 =	sand.u32 $0x70, s2;
	s1 =	sadd.s32 $0x1000, s1  }
0x31: {  	s2 =	sor.u32 s2, s1  }
0x32: {  	v1 =	vld [tilespmem:s4+$0xFFFFFFD0];
	[tilespmem:s2+$0x0] =	vst v0  }
0x33: {  	v0 =	vld [tilespmem:s4+$0xFFFFFFFF];
	_ =	sdelay $0x1  }
0x34: {  	s5 =	sand.u32 $0x40, s16;
	v2 =	vld [tilespmem:s4+$0xFFFFFFE0]  }
0x35: {  	s5 =	sor.u32 s5, s1;
	v3 =	vld [tilespmem:s4+$0xFFFFFFF0]  }
0x36: {  	s3 =	simm.s32 $0x10;
	[tilespmem:s5+$0x0] =	vst v1  }
0x37: {  	s6 =	simm.s32 $0x20;
	s3 =	sand.u32 $0x50, s3;
	v1 =	vld [tilespmem:s4+$0xFFFFFFCF];
	[tilespmem:s2+$0x80] =	vst v0  }
0x38: {  	s6 =	sand.u32 $0x60, s6;
	s3 =	sor.u32 s3, s1;
	v0 =	vld [tilespmem:s4+$0xFFFFFFFE]  }
0x39: {  	s1 =	sor.u32 s6, s1;
	[tilespmem:s3+$0x0] =	vst v2  }
0x3a: {  	[tilespmem:s1+$0x0] =	vst v3;
	v2 =	vld [tilespmem:s4+$0xFFFFFFDF]  }
0x3b: {  	v3 =	vld [tilespmem:s4+$0xFFFFFFEF]  }
0x3c: {  	[tilespmem:s5+$0x80] =	vst v1  }
0x3d: {  	v1 =	vld [tilespmem:s4+$0xFFFFFFCE];
	[tilespmem:s2+$0x100] =	vst v0  }
0x3e: {  	v0 =	vld [tilespmem:s4+$0xFFFFFFFD]  }
0x3f: {  	[tilespmem:s3+$0x80] =	vst v2  }
0x40: {  	[tilespmem:s1+$0x80] =	vst v3;
	v2 =	vld [tilespmem:s4+$0xFFFFFFDE]  }
0x41: {  	v3 =	vld [tilespmem:s4+$0xFFFFFFEE]  }
0x42: {  	[tilespmem:s5+$0x100] =	vst v1  }
0x43: {  	v1 =	vld [tilespmem:s4+$0xFFFFFFCD];
	[tilespmem:s2+$0x180] =	vst v0  }
0x44: {  	s17 =	sand.u32 $0x7, s16;
	v0 =	vld [tilespmem:s4+$0xFFFFFFFC]  }
0x45: {  	[tilespmem:s3+$0x100] =	vst v2;
	s2 =	sshll.u32 s17, $0x4  }
0x46: {  	p1 =	por $0x0, $0x0;
	[tilespmem:s1+$0x100] =	vst v3;
	v2 =	vld [tilespmem:s4+$0xFFFFFFDD];
	s2 =	sadd.s32 $0x0, s2  }
0x47: {  	s23 =	sadd.s32 $0x40, s4;
	s24 =	simm.s32 $0x200;
	v3 =	vld [tilespmem:s4+$0xFFFFFFED];
	s18 =	sadd.s32 $0x30, s2  }
0x48: {  	s25 =	simm.s32 $0x70;
	s6 =	simm.s32 $0x1;
	v4 =	vld [tilespmem:s23+$0x0];
	[tilespmem:s5+$0x180] =	vst v1;
	s19 =	sor.u32 $0x200, s18  }
0x49: {  	s22 =	sand.u32 $0x3C00, s24;
	s0 =	sand.u32 $0x3, s16;
	s6 =	simm.s32 @!p1 $0x0;
	v1 =	vld [tilespmem:s4+$0xFFFFFFCC];
	[tilespmem:s19+$0x1000] =	vst v0  }
0x4a: {  	s9 =	sadd.s32 $0x1000, s22;
	s0 =	sshll.u32 s0, $0x5;
	s20 =	sshll.u32 s6, $0x6;
	v0 =	vld [tilespmem:s4+$0xFFFFFFFB]  }
0x4b: {  	v5 =	vld [tilespmem:s23+$0xFFFFFFD0];
	s21 =	sadd.s32 $0x0, s0;
	[tilespmem:s3+$0x180] =	vst v2;
	s0 =	sadd.s32 $0x10, s2;
	s2 =	sand.u32 $0x70, s25  }
0x4c: {  	s7 =	sadd.s32 $0x0, s20;
	[tilespmem:s1+$0x180] =	vst v3;
	v2 =	vld [tilespmem:s4+$0xFFFFFFDC];
	s6 =	sor.u32 s2, s9  }
0x4d: {  	s1 =	sor.u32 $0x200, s7;
	v3 =	vld [tilespmem:s4+$0xFFFFFFEC];
	s25 =	simm.s32 $0x40;
	[tilespmem:s6+$0x0] =	vst v4  }
0x4e: {  	v6 =	vld [tilespmem:s23+$0xFFFFFFF0];
	s26 =	sor.u32 $0x280, s18;
	s13 =	sand.u32 $0x40, s25;
	[tilespmem:s1+$0x1000] =	vst v1  }
0x4f: {  	s3 =	sor.u32 s13, s9;
	v1 =	vld [tilespmem:s23+$0xFFFFFFE0];
	[tilespmem:s26+$0x1000] =	vst v0  }
0x50: {  	s15 =	simm.s32 $0x60;
	s10 =	sadd.s32 $0x20, s21;
	s8 =	sor.u32 $0x200, s0;
	[tilespmem:s3+$0x0] =	vst v5;
	v0 =	vld [tilespmem:s4+$0xFFFFFFFA]  }
0x51: {  	s12 =	simm.s32 $0x50;
	s2 =	sand.u32 $0x60, s15;
	[tilespmem:s8+$0x1000] =	vst v2;
	s8 =	sor.u32 $0x200, s10;
	v5 =	vld [tilespmem:s23+$0xFFFFFFCF]  }
0x52: {  	s14 =	sand.u32 $0x50, s12;
	s2 =	sor.u32 s2, s9;
	[tilespmem:s8+$0x1000] =	vst v3;
	v3 =	vld [tilespmem:s23+$0xFFFFFFFF]  }
0x53: {  	[tilespmem:s2+$0x0] =	vst v6;
	s1 =	sor.u32 s14, s9;
	v2 =	vld [tilespmem:s4+$0xFFFFFFCB]  }
0x54: {  	s16 =	sor.u32 $0x300, s18;
	v6 =	vld [tilespmem:s23+$0xFFFFFFEF];
	[tilespmem:s1+$0x0] =	vst v1  }
0x55: {  	v1 =	vld [tilespmem:s23+$0xFFFFFFDF];
	[tilespmem:s16+$0x1000] =	vst v0  }
0x56: {  	[tilespmem:s3+$0x80] =	vst v5;
	v0 =	vld [tilespmem:s4+$0xFFFFFFF9]  }
0x57: {  	s17 =	sor.u32 $0x280, s7;
	v4 =	vld [tilespmem:s4+$0xFFFFFFDB];
	[tilespmem:s6+$0x80] =	vst v3  }
0x58: {  	[tilespmem:s17+$0x1000] =	vst v2;
	v2 =	vld [tilespmem:s4+$0xFFFFFFEB]  }
0x59: {  	[tilespmem:s2+$0x80] =	vst v6;
	v3 =	vld [tilespmem:s23+$0xFFFFFFFE]  }
0x5a: {  	s5 =	sor.u32 $0x380, s18;
	v5 =	vld [tilespmem:s23+$0xFFFFFFCE];
	[tilespmem:s1+$0x80] =	vst v1  }
0x5b: {  	s18 =	smul.u32 $0x18, s11;
	v1 =	vld [tilespmem:s23+$0xFFFFFFDE];
	[tilespmem:s5+$0x1000] =	vst v0  }
0x5c: {  	v0 =	vld [tilespmem:s4+$0xFFFFFFCA];
	[dreg:$0xd] =	wrdreg s11  }
0x5d: {  	[dreg:$0xe] =	wrdreg s18  }
0x5e: {  	s19 =	sor.u32 $0x280, s0;
	[tilespmem:s6+$0x100] =	vst v3  }
0x5f: {  	s30 =	simm.s32 $0x4;
	s12 =	simm.s32 $0x1;
	p1 =	por !p1, !p1;
	v6 =	vld [tilespmem:s23+$0xFFFFFFEE];
	[tilespmem:s19+$0x1000] =	vst v4  }
0x60: {  	s22 =	simm.s32 $0x2;
	s12 =	simm.s32 @!p1 $0x0;
	p1 =	por !p1, !p1;
	[tilespmem:s3+$0x100] =	vst v5;
	v3 =	vld [tilespmem:s23+$0xFFFFFFFD]  }
0x61: {  	s20 =	sor.u32 $0x280, s10;
	s21 =	sor.u32 $0x300, s0;
	s15 =	sshll.u32 s12, $0x6;
	[tilespmem:s1+$0x100] =	vst v1;
	v5 =	vld [tilespmem:s23+$0xFFFFFFCD]  }
0x62: {  	s12 =	simm.s32 $0x4;
	s13 =	sor.u32 $0x300, s7;
	s9 =	sor.u32 $0x300, s10;
	[tilespmem:s20+$0x1000] =	vst v2;
	v1 =	vld [tilespmem:s23+$0xFFFFFFDD]  }
0x63: {  	s14 =	sand.u32 $0x3, s22;
	s8 =	sor.u32 $0x380, s7;
	s26 =	sor.u32 $0x380, s10;
	v4 =	vld [tilespmem:s4+$0xFFFFFFDA];
	[tilespmem:s13+$0x1000] =	vst v0  }
0x64: {  	s10 =	sadd.s32 $0x200, s15;
	s5 =	sor.u32 $0x380, s0;
	s0 =	sshll.u32 s14, $0x5;
	[tilespmem:s2+$0x100] =	vst v6;
	v6 =	vld [tilespmem:s4+$0xFFFFFFEA]  }
0x65: {  	s31 =	sor.u32 $0x300, s10;
	s0 =	sadd.s32 $0x200, s0;
	s18 =	sand.u32 $0x7, s12;
	v7 =	vld [tilespmem:s23+$0xFFFFFFED];
	[tilespmem:s6+$0x180] =	vst v3  }
0x66: {  	s14 =	sor.u32 $0x200, s10;
	s16 =	sadd.s32 $0x20, s0;
	s19 =	sshll.u32 s18, $0x4;
	[tilespmem:s3+$0x180] =	vst v5;
	v8 =	vld [tilespmem:s23+$0xFFFFFFFC]  }
0x67: {  	s0 =	sor.u32 $0x280, s10;
	s17 =	sor.u32 $0x200, s16;
	s20 =	sadd.s32 $0x200, s19;
	v0 =	vld [tilespmem:s4+$0xFFFFFFC9];
	[tilespmem:s1+$0x180] =	vst v1  }
0x68: {  	s11 =	sor.u32 $0x280, s16;
	s29 =	sor.u32 $0x300, s16;
	s13 =	sadd.s32 $0x30, s20;
	[tilespmem:s21+$0x1000] =	vst v4;
	v3 =	vld [tilespmem:s23+$0xFFFFFFCC]  }
0x69: {  	s28 =	sor.u32 $0x380, s16;
	s22 =	sor.u32 $0x200, s13;
	s1 =	sor.u32 $0x380, s10;
	v2 =	vld [tilespmem:s23+$0xFFFFFFDC];
	[tilespmem:s9+$0x1000] =	vst v6  }
0x6a: {  	s21 =	sadd.s32 $0x10, s20;
	s10 =	simm.s32 $0x4;
	s20 =	smov.u32 s4;
	v1 =	vld [tilespmem:s4+$0xFFFFFFD9];
	[tilespmem:s2+$0x180] =	vst v7  }
0x6b: {  	s3 =	sor.u32 $0x200, s21;
	s16 =	sor.u32 $0x280, s21;
	s7 =	sor.u32 $0x300, s21;
	v5 =	vld [tilespmem:s23+$0xFFFFFFEC];
	[tilespmem:s22+$0x1000] =	vst v8  }
0x6c: {  	s15 =	sor.u32 $0x380, s21;
	s9 =	smov.u32 s23;
	v4 =	vld [tilespmem:s23+$0xFFFFFFFB];
	[dreg:$0xc] =	wrdreg s4  }
.LBB2_3:
0x6d: {  	s6 =	simm.s32 $0x1  }
0x6e: {  	s2 =	sand.u32 $0x3, s10;
	[tilespmem:s14+$0x1000] =	vst v3;
	s23 =	sadd.s32 $0x40, s23;
	v3 =	vld [tilespmem:s20+$0xFFFFFFE9];
	s6 =	simm.s32 @!p1 $0x0  }
0x6f: {  	s30 =	sadd.s32 $0x4, s30;
	s2 =	sshll.u32 s2, $0x5;
	s6 =	sshll.u32 s6, $0x6;
	v6 =	vld [tilespmem:s23+$0x0];
	[tilespmem:s3+$0x1000] =	vst v2  }
0x70: {  	s24 =	sadd.s32 $0x200, s24;
	s25 =	sadd.s32 $0x40, s25;
	p2 =	slt.u32 s30, $0x7C;
	v2 =	vld [tilespmem:s23+$0xFFFFFFD0];
	[tilespmem:s8+$0x1000] =	vst v0  }
0x71: {  	s14 =	sor.u32 $0x280, s13;
	s3 =	sand.u32 $0x3C00, s24;
	s8 =	sadd.s32 $0x30, s25;
	v0 =	vld [tilespmem:s23+$0xFFFFFFE0];
	[tilespmem:s17+$0x1000] =	vst v5  }
0x72: {  	s17 =	sadd.s32 $0x1000, s3;
	s3 =	sadd.s32 $0x10, s25;
	s8 =	sand.u32 $0x70, s8;
	v5 =	vld [tilespmem:s23+$0xFFFFFFF0];
	[tilespmem:s14+$0x1000] =	vst v4  }
0x73: {  	s3 =	sand.u32 $0x50, s3;
	s14 =	sadd.s32 $0x20, s25;
	s22 =	sor.u32 s8, s17;
	v4 =	vld [tilespmem:s9+$0xFFFFFFFA];
	[tilespmem:s5+$0x1000] =	vst v1  }
0x74: {  	s5 =	sand.u32 $0x40, s25;
	s3 =	sor.u32 s3, s17;
	s8 =	sand.u32 $0x60, s14;
	[tilespmem:s22+$0x0] =	vst v6;
	v1 =	vld [tilespmem:s9+$0xFFFFFFCB]  }
0x75: {  	s14 =	sadd.s32 s24, s2;
	s21 =	sor.u32 s5, s17;
	s2 =	sor.u32 s8, s17;
	v6 =	vld [tilespmem:s23+$0xFFFFFFFF];
	[tilespmem:s26+$0x1000] =	vst v3  }
0x76: {  	s20 =	smov.u32 s9;
	s5 =	sadd.s32 s6, s24;
	s8 =	sadd.s32 $0x20, s14;
	[tilespmem:s21+$0x0] =	vst v2;
	v2 =	vld [tilespmem:s9+$0xFFFFFFDB]  }
0x77: {  	s14 =	sor.u32 $0x200, s5;
	s17 =	sor.u32 $0x200, s8;
	s9 =	sor.u32 $0x300, s13;
	v3 =	vld [tilespmem:s23+$0xFFFFFFCF];
	[tilespmem:s3+$0x0] =	vst v0  }
0x78: {  	s26 =	sor.u32 $0x280, s5;
	s18 =	sor.u32 $0x280, s8;
	s6 =	sor.u32 $0x300, s8;
	v0 =	vld [tilespmem:s23+$0xFFFFFFDF];
	[tilespmem:s9+$0x1000] =	vst v4  }
0x79: {  	s19 =	sor.u32 $0x300, s5;
	s5 =	sor.u32 $0x380, s5;
	s4 =	sor.u32 $0x380, s8;
	[tilespmem:s2+$0x0] =	vst v5;
	v4 =	vld [tilespmem:s20+$0xFFFFFFF9]  }
0x7a: {  	s8 =	smov.u32 s1;
	s1 =	smov.u32 s5;
	s9 =	smov.u32 s23;
	v5 =	vld [tilespmem:s23+$0xFFFFFFEF];
	[tilespmem:s22+$0x80] =	vst v6  }
0x7b: {  	v6 =	vld [tilespmem:s23+$0xFFFFFFFE];
	[tilespmem:s0+$0x1000] =	vst v1;
	s0 =	smov.u32 s26;
	s26 =	smov.u32 s28;
	s28 =	smov.u32 s4  }
0x7c: {  	s5 =	smov.u32 s15;
	[tilespmem:s21+$0x80] =	vst v3;
	v1 =	vld [tilespmem:s20+$0xFFFFFFEB]  }
0x7d: {  	s4 =	sor.u32 $0x380, s13;
	v3 =	vld [tilespmem:s23+$0xFFFFFFCE];
	[tilespmem:s3+$0x80] =	vst v0  }
0x7e: {  	v0 =	vld [tilespmem:s23+$0xFFFFFFDE];
	[tilespmem:s4+$0x1000] =	vst v4  }
0x7f: {  	[tilespmem:s2+$0x80] =	vst v5;
	v4 =	vld [tilespmem:s20+$0xFFFFFFCA]  }
0x80: {  	v5 =	vld [tilespmem:s23+$0xFFFFFFEE];
	[tilespmem:s22+$0x100] =	vst v6  }
0x81: {  	v6 =	vld [tilespmem:s23+$0xFFFFFFFD];
	[tilespmem:s16+$0x1000] =	vst v2  }
0x82: {  	[tilespmem:s21+$0x100] =	vst v3;
	v7 =	vld [tilespmem:s20+$0xFFFFFFDA]  }
0x83: {  	v2 =	vld [tilespmem:s23+$0xFFFFFFCD];
	[tilespmem:s3+$0x100] =	vst v0  }
0x84: {  	v8 =	vld [tilespmem:s23+$0xFFFFFFDD];
	[tilespmem:s11+$0x1000] =	vst v1;
	s11 =	smov.u32 s18  }
0x85: {  	[tilespmem:s2+$0x100] =	vst v5;
	v9 =	vld [tilespmem:s20+$0xFFFFFFEA]  }
0x86: {  	s12 =	sadd.s32 $0x4, s12;
	v1 =	vld [tilespmem:s23+$0xFFFFFFED];
	[tilespmem:s22+$0x180] =	vst v6  }
0x87: {  	s4 =	sand.u32 $0x7, s12;
	v6 =	vld [tilespmem:s23+$0xFFFFFFFC];
	[tilespmem:s31+$0x1000] =	vst v4;
	s31 =	smov.u32 s19  }
0x88: {  	s4 =	sshll.u32 s4, $0x4;
	[tilespmem:s21+$0x180] =	vst v2;
	v0 =	vld [tilespmem:s20+$0xFFFFFFC9]  }
.Ltmp2:
0x89: {  	s4 =	sadd.s32 s24, s4;
	v3 =	vld [tilespmem:s23+$0xFFFFFFCC];
	[tilespmem:s3+$0x180] =	vst v8;
	(pc) =	sbr.rel @p2 .LBB2_3-.Ltmp2, $4  }
0x8a: {  	s15 =	sadd.s32 $0x10, s4;
	s13 =	sadd.s32 $0x30, s4;
	v2 =	vld [tilespmem:s23+$0xFFFFFFDC];
	[tilespmem:s7+$0x1000] =	vst v7  }
0x8b: {  	s16 =	sor.u32 $0x280, s15;
	s3 =	sor.u32 $0x200, s15;
	[tilespmem:s2+$0x180] =	vst v1;
	s2 =	sor.u32 $0x200, s13;
	v1 =	vld [tilespmem:s20+$0xFFFFFFD9]  }
0x8c: {  	s7 =	sor.u32 $0x300, s15;
	s15 =	sor.u32 $0x380, s15;
	v5 =	vld [tilespmem:s23+$0xFFFFFFEC];
	[tilespmem:s2+$0x1000] =	vst v6  }
0x8d: {  	s10 =	sadd.s32 $0x2, s10;
	p1 =	por !p1, !p1;
	v4 =	vld [tilespmem:s23+$0xFFFFFFFB];
	[tilespmem:s29+$0x1000] =	vst v9;
	s29 =	smov.u32 s6  }
0x8e: {  	[tilespmem:s14+$0x1000] =	vst v3  }
0x8f: {  	[tilespmem:s3+$0x1000] =	vst v2;
	v2 =	vld [tilespmem:s9+$0xFFFFFFCB];
	_ =	sdelay $0x1  }
0x90: {  	v3 =	vld [tilespmem:s9+$0xFFFFFFDB];
	[tilespmem:s17+$0x1000] =	vst v5  }
0x91: {  	s2 =	sor.u32 $0x280, s13;
	v5 =	vld [tilespmem:s9+$0xFFFFFFEB]  }
0x92: {  	[tilespmem:s2+$0x1000] =	vst v4  }
0x93: {  	v4 =	vld [tilespmem:s9+$0xFFFFFFFA];
	[tilespmem:s0+$0x1000] =	vst v2  }
0x94: {  	v2 =	vld [tilespmem:s9+$0xFFFFFFCA]  }
0x95: {  	[tilespmem:s16+$0x1000] =	vst v3  }
0x96: {  	v3 =	vld [tilespmem:s9+$0xFFFFFFDA];
	[tilespmem:s11+$0x1000] =	vst v5  }
0x97: {  	[tilespmem:s8+$0x1000] =	vst v0;
	s8 =	sor.u32 $0x300, s13;
	v5 =	vld [tilespmem:s9+$0xFFFFFFEA]  }
0x98: {  	v0 =	vld [tilespmem:s20+$0xFFFFFFE9];
	[tilespmem:s8+$0x1000] =	vst v4  }
0x99: {  	v4 =	vld [tilespmem:s9+$0xFFFFFFF9];
	[tilespmem:s31+$0x1000] =	vst v2  }
0x9a: {  	[tilespmem:s5+$0x1000] =	vst v1;
	v2 =	vld [tilespmem:s9+$0xFFFFFFC9]  }
0x9b: {  	[tilespmem:s7+$0x1000] =	vst v3  }
0x9c: {  	v3 =	vld [tilespmem:s9+$0xFFFFFFD9];
	[tilespmem:s29+$0x1000] =	vst v5  }
0x9d: {  	[tilespmem:s26+$0x1000] =	vst v0;
	v1 =	vld [tilespmem:s9+$0xFFFFFFE9];
	s9 =	sor.u32 $0x380, s13  }
0x9e: {  	[tilespmem:s9+$0x1000] =	vst v4  }
0x9f: {  	[tilespmem:s1+$0x1000] =	vst v2  }
0xa0: {  	s20 =	rddreg [dreg:$0x4]  }
0xa1: {  	s11 =	rddreg [dreg:$0xe]  }
0xa2: {  	s10 =	sadd.s32 s20, s11  }
0xa3: {  	s18 =	rddreg [dreg:$0x1];
	[tilespmem:s15+$0x1000] =	vst v3;
	s0 =	sshll.u32 s10, $0x8  }
0xa4: {  	s19 =	simm.s32 $0x0;
	s12 =	simm.s32 $0x1000;
	[tilespmem:s28+$0x1000] =	vst v1;
	s0 =	sadd.s32 s18, s0  }
0xa5: {  	[hbm4b:s0+s19] =	stream.linear.scatter [tilespmem:s12], [sflag:$0x1], $0x4000, $0x38;
	[tilespmem:$0xD000] =	vst v63  }
0xa6: {  	s0 =	simm.s32 @!p0 $0x1  }
0xa7: {  	_ =	swait.ge @!p0 [sflag:s0], $0x4000  }
0xa8: {  	[sflag:s0] =	ssyncset.done @!p0 $0x0  }
0xa9: {  	s22 =	rddreg [dreg:$0xb];
	[sflag:s0] =	ssyncadd.s32 @!p0 $0xFFFFC000  }
0xaa: {  	v0 =	vld [tilespmem:s22+$0x0]  }
0xab: {  	s13 =	simm.s32 $0x0;
	v1 =	vld [tilespmem:s22+$0xFFFFFFE0]  }
0xac: {  	s14 =	simm.s32 $0x30;
	s1 =	sand.u32 $0x3C00, s13;
	v2 =	vld [tilespmem:s22+$0xFFFFFFF0]  }
0xad: {  	s4 =	simm.s32 $0x10;
	s8 =	sand.u32 $0x70, s14;
	s15 =	sadd.s32 $0x5000, s1;
	v3 =	vld [tilespmem:s22+$0xFFFFFFD0]  }
0xae: {  	s21 =	simm.s32 $0x20;
	s16 =	sor.u32 s8, s15;
	s0 =	sand.u32 $0x50, s4  }
0xaf: {  	s5 =	sand.u32 $0x60, s21;
	s17 =	sor.u32 s0, s15;
	[tilespmem:s16+$0x0] =	vst v0  }
0xb0: {  	s7 =	sand.u32 $0x40, s13;
	s23 =	sor.u32 s5, s15;
	[tilespmem:s17+$0x0] =	vst v1;
	v0 =	vld [tilespmem:s22+$0xFFFFFFFF]  }
0xb1: {  	s3 =	sor.u32 s7, s15;
	[tilespmem:s23+$0x0] =	vst v2;
	v1 =	vld [tilespmem:s22+$0xFFFFFFDF]  }
0xb2: {  	[tilespmem:s3+$0x0] =	vst v3;
	v2 =	vld [tilespmem:s22+$0xFFFFFFEF]  }
0xb3: {  	s24 =	sadd.s32 $0x5080, s1;
	v3 =	vld [tilespmem:s22+$0xFFFFFFCF]  }
0xb4: {  	s25 =	sor.u32 s8, s24  }
0xb5: {  	s26 =	sor.u32 s0, s24;
	[tilespmem:s25+$0x0] =	vst v0  }
0xb6: {  	s6 =	sor.u32 s5, s24;
	[tilespmem:s26+$0x0] =	vst v1;
	v0 =	vld [tilespmem:s22+$0xFFFFFFFE]  }
0xb7: {  	s2 =	sor.u32 s7, s24;
	[tilespmem:s6+$0x0] =	vst v2;
	v1 =	vld [tilespmem:s22+$0xFFFFFFDE]  }
0xb8: {  	[tilespmem:s2+$0x0] =	vst v3;
	v2 =	vld [tilespmem:s22+$0xFFFFFFEE]  }
0xb9: {  	s9 =	sadd.s32 $0x5100, s1;
	v3 =	vld [tilespmem:s22+$0xFFFFFFCE]  }
0xba: {  	s10 =	sor.u32 s8, s9  }
0xbb: {  	s12 =	sor.u32 s0, s9;
	[tilespmem:s10+$0x0] =	vst v0  }
0xbc: {  	s13 =	sor.u32 s5, s9;
	[tilespmem:s12+$0x0] =	vst v1;
	v0 =	vld [tilespmem:s22+$0xFFFFFFFD]  }
0xbd: {  	s3 =	sor.u32 s7, s9;
	[tilespmem:s13+$0x0] =	vst v2;
	v1 =	vld [tilespmem:s22+$0xFFFFFFDD]  }
0xbe: {  	[tilespmem:s3+$0x0] =	vst v3;
	v2 =	vld [tilespmem:s22+$0xFFFFFFED]  }
0xbf: {  	s14 =	sadd.s32 $0x5180, s1;
	v3 =	vld [tilespmem:s22+$0xFFFFFFCD]  }
0xc0: {  	s15 =	sor.u32 s8, s14  }
0xc1: {  	s16 =	sor.u32 s0, s14;
	[tilespmem:s15+$0x0] =	vst v0  }
0xc2: {  	s17 =	sor.u32 s5, s14;
	[tilespmem:s16+$0x0] =	vst v1;
	v0 =	vld [tilespmem:s22+$0xFFFFFFFC]  }
0xc3: {  	s2 =	sor.u32 s7, s14;
	[tilespmem:s17+$0x0] =	vst v2;
	v1 =	vld [tilespmem:s22+$0xFFFFFFDC]  }
0xc4: {  	[tilespmem:s2+$0x0] =	vst v3;
	v2 =	vld [tilespmem:s22+$0xFFFFFFEC]  }
0xc5: {  	s21 =	sadd.s32 $0x5200, s1;
	s23 =	sadd.s32 $0x40, s22;
	v3 =	vld [tilespmem:s22+$0xFFFFFFCC]  }
0xc6: {  	s24 =	sor.u32 s8, s21;
	v4 =	vld [tilespmem:s23+$0x0]  }
0xc7: {  	s29 =	simm.s32 $0x200;
	s9 =	simm.s32 $0x70;
	v5 =	vld [tilespmem:s23+$0xFFFFFFE0];
	s25 =	sor.u32 s0, s21;
	[tilespmem:s24+$0x0] =	vst v0  }
0xc8: {  	v6 =	vld [tilespmem:s23+$0xFFFFFFD0];
	s26 =	sor.u32 s7, s21;
	s3 =	sor.u32 s5, s21;
	[tilespmem:s25+$0x0] =	vst v1;
	s24 =	sand.u32 $0x3C00, s29  }
0xc9: {  	s10 =	simm.s32 $0x50;
	[tilespmem:s3+$0x0] =	vst v2;
	v2 =	vld [tilespmem:s23+$0xFFFFFFF0];
	s25 =	sand.u32 $0x70, s9;
	s12 =	sadd.s32 $0x5000, s24  }
0xca: {  	s31 =	simm.s32 $0x40;
	[tilespmem:s26+$0x0] =	vst v3;
	s26 =	sand.u32 $0x50, s10;
	v0 =	vld [tilespmem:s22+$0xFFFFFFFB];
	s14 =	sor.u32 s25, s12  }
0xcb: {  	s30 =	sand.u32 $0x40, s31;
	s13 =	simm.s32 $0x60;
	v3 =	vld [tilespmem:s22+$0xFFFFFFCB];
	s15 =	sor.u32 s26, s12;
	[tilespmem:s14+$0x0] =	vst v4  }
0xcc: {  	s28 =	sand.u32 $0x60, s13;
	v1 =	vld [tilespmem:s22+$0xFFFFFFDB];
	s16 =	sor.u32 s30, s12;
	[tilespmem:s15+$0x0] =	vst v5  }
0xcd: {  	s2 =	sadd.s32 $0x5280, s1;
	s3 =	sor.u32 s28, s12;
	[tilespmem:s16+$0x0] =	vst v6;
	v4 =	vld [tilespmem:s23+$0xFFFFFFFF]  }
0xce: {  	s6 =	sor.u32 s8, s2;
	v5 =	vld [tilespmem:s23+$0xFFFFFFDF];
	[tilespmem:s3+$0x0] =	vst v2  }
0xcf: {  	s21 =	sor.u32 s7, s2;
	[tilespmem:s6+$0x0] =	vst v0;
	v2 =	vld [tilespmem:s23+$0xFFFFFFEF]  }
0xd0: {  	s9 =	sadd.s32 $0x5080, s24;
	s14 =	sor.u32 s0, s2;
	[tilespmem:s21+$0x0] =	vst v3;
	v0 =	vld [tilespmem:s22+$0xFFFFFFFA]  }
0xd1: {  	s10 =	sor.u32 s25, s9;
	v6 =	vld [tilespmem:s23+$0xFFFFFFCF];
	[tilespmem:s14+$0x0] =	vst v1  }
0xd2: {  	s12 =	sor.u32 s26, s9;
	v3 =	vld [tilespmem:s22+$0xFFFFFFEB];
	[tilespmem:s10+$0x0] =	vst v4  }
0xd3: {  	s13 =	sor.u32 s28, s9;
	s3 =	sadd.s32 $0x5300, s1;
	[tilespmem:s12+$0x0] =	vst v5;
	v4 =	vld [tilespmem:s23+$0xFFFFFFFE]  }
0xd4: {  	s17 =	sor.u32 s8, s3;
	[tilespmem:s13+$0x0] =	vst v2;
	v2 =	vld [tilespmem:s23+$0xFFFFFFDE]  }
0xd5: {  	s4 =	sor.u32 s30, s9;
	[tilespmem:s17+$0x0] =	vst v0;
	v5 =	vld [tilespmem:s23+$0xFFFFFFEE]  }
0xd6: {  	s15 =	sadd.s32 $0x5100, s24;
	s2 =	sor.u32 s5, s2;
	[tilespmem:s4+$0x0] =	vst v6;
	v0 =	vld [tilespmem:s22+$0xFFFFFFF9]  }
0xd7: {  	s16 =	sor.u32 s25, s15;
	v6 =	vld [tilespmem:s23+$0xFFFFFFCE];
	[tilespmem:s2+$0x0] =	vst v3  }
0xd8: {  	v7 =	vld [tilespmem:s22+$0xFFFFFFDA];
	s17 =	sor.u32 s26, s15;
	[tilespmem:s16+$0x0] =	vst v4  }
0xd9: {  	s6 =	sadd.s32 $0x5380, s1;
	s21 =	sor.u32 s28, s15;
	[tilespmem:s17+$0x0] =	vst v2;
	v1 =	vld [tilespmem:s23+$0xFFFFFFFD]  }
0xda: {  	s1 =	sor.u32 s8, s6;
	[tilespmem:s21+$0x0] =	vst v5;
	v2 =	vld [tilespmem:s23+$0xFFFFFFDD]  }
0xdb: {  	[tilespmem:s1+$0x0] =	vst v0;
	v0 =	vld [tilespmem:s22+$0xFFFFFFCA];
	s1 =	sor.u32 s30, s15  }
0xdc: {  	s8 =	sadd.s32 $0x5180, s24;
	s13 =	sor.u32 s0, s3;
	v4 =	vld [tilespmem:s23+$0xFFFFFFED];
	[tilespmem:s1+$0x0] =	vst v6  }
0xdd: {  	s9 =	sor.u32 s25, s8;
	[tilespmem:s13+$0x0] =	vst v7;
	v5 =	vld [tilespmem:s23+$0xFFFFFFCD]  }
0xde: {  	s10 =	sor.u32 s26, s8;
	v3 =	vld [tilespmem:s22+$0xFFFFFFD9];
	[tilespmem:s9+$0x0] =	vst v1  }
0xdf: {  	s4 =	sor.u32 s7, s3;
	[tilespmem:s10+$0x0] =	vst v2;
	v2 =	vld [tilespmem:s23+$0xFFFFFFFC]  }
0xe0: {  	s12 =	sor.u32 s28, s8;
	[tilespmem:s4+$0x0] =	vst v0;
	v0 =	vld [tilespmem:s22+$0xFFFFFFEA]  }
0xe1: {  	s2 =	sor.u32 s30, s8;
	v6 =	vld [tilespmem:s23+$0xFFFFFFDC];
	[tilespmem:s12+$0x0] =	vst v4  }
0xe2: {  	s15 =	sadd.s32 $0x5200, s24;
	v8 =	vld [tilespmem:s23+$0xFFFFFFEC];
	[tilespmem:s2+$0x0] =	vst v5  }
0xe3: {  	s16 =	sor.u32 s25, s15;
	v4 =	vld [tilespmem:s23+$0xFFFFFFCC]  }
0xe4: {  	s14 =	sor.u32 s5, s3;
	v1 =	vld [tilespmem:s22+$0xFFFFFFC9];
	[tilespmem:s16+$0x0] =	vst v2  }
0xe5: {  	s8 =	sor.u32 s0, s6;
	s0 =	simm.s32 $0x4;
	s17 =	sor.u32 s26, s15;
	[tilespmem:s14+$0x0] =	vst v0;
	v5 =	vld [tilespmem:s23+$0xFFFFFFFB]  }
0xe6: {  	s1 =	sadd.s32 $0x8, s11;
	s21 =	sor.u32 s28, s15;
	s3 =	sor.u32 s30, s15;
	[tilespmem:s17+$0x0] =	vst v6;
	v2 =	vld [tilespmem:s22+$0xFFFFFFE9]  }
0xe7: {  	s9 =	sor.u32 s7, s6;
	s7 =	sor.u32 s5, s6;
	s5 =	sadd.s32 $0x40, s23;
	v0 =	vld [tilespmem:s23+$0xFFFFFFDB];
	[tilespmem:s21+$0x0] =	vst v8  }
.LBB2_5:
0xe8: {  	v6 =	vld [tilespmem:s5+$0x0];
	s0 =	sadd.s32 $0x4, s0;
	[tilespmem:s3+$0x0] =	vst v4;
	s29 =	sadd.s32 $0x200, s29  }
0xe9: {  	s2 =	sadd.s32 $0x5280, s24;
	s31 =	sadd.s32 $0x40, s31;
	v4 =	vld [tilespmem:s5+$0xFFFFFFE0];
	p1 =	slt.u32 s0, $0x7C;
	[tilespmem:s9+$0x0] =	vst v1  }
0xea: {  	s9 =	sand.u32 $0x3C00, s29;
	s3 =	sadd.s32 $0x30, s31;
	s4 =	sor.u32 s25, s2;
	v1 =	vld [tilespmem:s5+$0xFFFFFFF0];
	[tilespmem:s8+$0x0] =	vst v3  }
0xeb: {  	s6 =	sadd.s32 $0x10, s31;
	s8 =	sadd.s32 $0x5000, s9;
	s14 =	sand.u32 $0x70, s3;
	v3 =	vld [tilespmem:s5+$0xFFFFFFD0];
	[tilespmem:s4+$0x0] =	vst v5  }
0xec: {  	s6 =	sand.u32 $0x50, s6;
	s3 =	sadd.s32 $0x20, s31;
	s4 =	sor.u32 s14, s8;
	v5 =	vld [tilespmem:s23+$0xFFFFFFFA];
	[tilespmem:s7+$0x0] =	vst v2  }
0xed: {  	s11 =	sand.u32 $0x40, s31;
	s10 =	sand.u32 $0x60, s3;
	s7 =	sor.u32 s6, s8;
	[tilespmem:s4+$0x0] =	vst v6;
	v2 =	vld [tilespmem:s23+$0xFFFFFFCB]  }
0xee: {  	s3 =	sor.u32 s11, s8;
	s4 =	sor.u32 s10, s8;
	[tilespmem:s7+$0x0] =	vst v4;
	v4 =	vld [tilespmem:s5+$0xFFFFFFFF];
	s7 =	sor.u32 s30, s2  }
0xef: {  	s15 =	sor.u32 s26, s2;
	s13 =	sor.u32 s28, s2;
	v6 =	vld [tilespmem:s5+$0xFFFFFFDF];
	[tilespmem:s4+$0x0] =	vst v1;
	s4 =	sadd.s32 $0x5300, s24  }
0xf0: {  	[tilespmem:s3+$0x0] =	vst v3;
	v1 =	vld [tilespmem:s5+$0xFFFFFFEF];
	s12 =	sor.u32 s30, s4;
	s3 =	sor.u32 s26, s4;
	s8 =	sor.u32 s25, s4  }
0xf1: {  	s16 =	sadd.s32 $0x5080, s9;
	s2 =	sor.u32 s28, s4;
	v3 =	vld [tilespmem:s5+$0xFFFFFFCF];
	[tilespmem:s8+$0x0] =	vst v5  }
0xf2: {  	s17 =	sor.u32 s14, s16;
	s4 =	sor.u32 s11, s16;
	s8 =	sor.u32 s6, s16;
	[tilespmem:s7+$0x0] =	vst v2;
	v2 =	vld [tilespmem:s23+$0xFFFFFFF9]  }
0xf3: {  	s7 =	sor.u32 s10, s16;
	[tilespmem:s17+$0x0] =	vst v4;
	v4 =	vld [tilespmem:s23+$0xFFFFFFEB]  }
0xf4: {  	[tilespmem:s8+$0x0] =	vst v6;
	v5 =	vld [tilespmem:s5+$0xFFFFFFFE]  }
0xf5: {  	v6 =	vld [tilespmem:s5+$0xFFFFFFDE];
	[tilespmem:s7+$0x0] =	vst v1;
	s7 =	sadd.s32 $0x5380, s24;
	s24 =	smov.u32 s9  }
0xf6: {  	[tilespmem:s4+$0x0] =	vst v3;
	v1 =	vld [tilespmem:s5+$0xFFFFFFEE];
	s9 =	sor.u32 s30, s7;
	s8 =	sor.u32 s26, s7;
	s4 =	sor.u32 s25, s7  }
0xf7: {  	s16 =	sadd.s32 $0x5100, s24;
	s7 =	sor.u32 s28, s7;
	s25 =	smov.u32 s14;
	v3 =	vld [tilespmem:s5+$0xFFFFFFCE];
	[tilespmem:s4+$0x0] =	vst v2  }
0xf8: {  	s4 =	sor.u32 s11, s16;
	s14 =	sor.u32 s6, s16;
	s17 =	sor.u32 s25, s16;
	v2 =	vld [tilespmem:s23+$0xFFFFFFCA];
	[tilespmem:s15+$0x0] =	vst v0  }
0xf9: {  	s26 =	smov.u32 s6;
	s30 =	smov.u32 s11;
	s15 =	sor.u32 s10, s16;
	[tilespmem:s17+$0x0] =	vst v5;
	v0 =	vld [tilespmem:s23+$0xFFFFFFDA]  }
0xfa: {  	s28 =	smov.u32 s10;
	[tilespmem:s14+$0x0] =	vst v6;
	v5 =	vld [tilespmem:s5+$0xFFFFFFFD]  }
0xfb: {  	v6 =	vld [tilespmem:s5+$0xFFFFFFDD];
	[tilespmem:s15+$0x0] =	vst v1  }
0xfc: {  	[tilespmem:s4+$0x0] =	vst v3;
	v3 =	vld [tilespmem:s5+$0xFFFFFFED]  }
0xfd: {  	s4 =	sadd.s32 $0x5180, s24;
	v7 =	vld [tilespmem:s5+$0xFFFFFFCD];
	[tilespmem:s13+$0x0] =	vst v4  }
0xfe: {  	s6 =	sor.u32 s30, s4;
	s10 =	sor.u32 s26, s4;
	s11 =	sor.u32 s25, s4;
	[tilespmem:s12+$0x0] =	vst v2;
	v2 =	vld [tilespmem:s23+$0xFFFFFFEA]  }
0xff: {  	s4 =	sor.u32 s28, s4;
	[tilespmem:s11+$0x0] =	vst v5;
	v1 =	vld [tilespmem:s23+$0xFFFFFFC9]  }
0x100: {  	[tilespmem:s10+$0x0] =	vst v6;
	v5 =	vld [tilespmem:s5+$0xFFFFFFFC]  }
0x101: {  	v6 =	vld [tilespmem:s5+$0xFFFFFFDC];
	[tilespmem:s4+$0x0] =	vst v3  }
0x102: {  	[tilespmem:s6+$0x0] =	vst v7;
	v7 =	vld [tilespmem:s5+$0xFFFFFFEC]  }
.Ltmp3:
0x103: {  	s4 =	sadd.s32 $0x5200, s24;
	v4 =	vld [tilespmem:s5+$0xFFFFFFCC];
	[tilespmem:s3+$0x0] =	vst v0;
	(pc) =	sbr.rel @p1 .LBB2_5-.Ltmp3, $4  }
0x104: {  	s6 =	sor.u32 s26, s4;
	s10 =	sor.u32 s25, s4;
	s3 =	sor.u32 s30, s4;
	v3 =	vld [tilespmem:s23+$0xFFFFFFD9];
	[tilespmem:s2+$0x0] =	vst v2  }
0x105: {  	s2 =	sor.u32 s28, s4;
	[tilespmem:s10+$0x0] =	vst v5;
	v2 =	vld [tilespmem:s23+$0xFFFFFFE9];
	s23 =	smov.u32 s5  }
0x106: {  	[tilespmem:s6+$0x0] =	vst v6;
	v5 =	vld [tilespmem:s5+$0xFFFFFFFB]  }
0x107: {  	s5 =	sadd.s32 $0x40, s5;
	v0 =	vld [tilespmem:s23+$0xFFFFFFDB];
	[tilespmem:s2+$0x0] =	vst v7  }
0x108: {  	[tilespmem:s3+$0x0] =	vst v4;
	v6 =	vld [tilespmem:s23+$0xFFFFFFEB]  }
0x109: {  	s0 =	sadd.s32 $0x5280, s24;
	v4 =	vld [tilespmem:s23+$0xFFFFFFCB]  }
0x10a: {  	s2 =	sor.u32 s25, s0  }
0x10b: {  	s13 =	sor.u32 s26, s0;
	[tilespmem:s2+$0x0] =	vst v5  }
0x10c: {  	s12 =	sor.u32 s30, s0;
	s0 =	sor.u32 s28, s0;
	v5 =	vld [tilespmem:s23+$0xFFFFFFFA];
	[tilespmem:s13+$0x0] =	vst v0  }
0x10d: {  	v0 =	vld [tilespmem:s23+$0xFFFFFFDA];
	[tilespmem:s0+$0x0] =	vst v6  }
0x10e: {  	[tilespmem:s12+$0x0] =	vst v4;
	v6 =	vld [tilespmem:s23+$0xFFFFFFEA]  }
0x10f: {  	s14 =	sadd.s32 $0x5300, s24;
	v4 =	vld [tilespmem:s23+$0xFFFFFFCA]  }
0x110: {  	[tilespmem:s9+$0x0] =	vst v1;
	s15 =	sor.u32 s25, s14  }
0x111: {  	s17 =	sor.u32 s26, s14;
	[tilespmem:s15+$0x0] =	vst v5  }
0x112: {  	s0 =	sor.u32 s28, s14;
	v62 =	vld [tilespmem:s23+$0xFFFFFFF9];
	[tilespmem:s17+$0x0] =	vst v0  }
0x113: {  	s16 =	sor.u32 s30, s14;
	v0 =	vld [tilespmem:s23+$0xFFFFFFD9];
	[tilespmem:s0+$0x0] =	vst v6  }
0x114: {  	[tilespmem:s16+$0x0] =	vst v4;
	v63 =	vld [tilespmem:s23+$0xFFFFFFE9]  }
0x115: {  	s21 =	sadd.s32 $0x5380, s24;
	[tilespmem:s8+$0x0] =	vst v3;
	v4 =	vld [tilespmem:s23+$0xFFFFFFC9]  }
0x116: {  	s24 =	sor.u32 s25, s21;
	[tilespmem:s7+$0x0] =	vst v2  }
0x117: {  	s29 =	sor.u32 s26, s21;
	[tilespmem:s24+$0x0] =	vst v62  }
.Ltmp4:
0x118: {  	s1 =	sadd.s32 s20, s1;
	s0 =	sor.u32 s28, s21;
	[tilespmem:s29+$0x0] =	vst v0;
	(pc) =	sbr.rel @p0 .LBB2_9-.Ltmp4, $4  }
0x119: {  	s25 =	sor.u32 s30, s21;
	s1 =	sshll.u32 s1, $0x8;
	[tilespmem:s0+$0x0] =	vst v63  }
0x11a: {  	s31 =	simm.s32 $0x5000;
	s30 =	sadd.s32 s18, s1;
	[tilespmem:s25+$0x0] =	vst v4  }
0x11b: {  	[hbm4b:s30+s19] =	stream.linear.scatter [tilespmem:s31], [sflag:$0x1], $0x4000, $0x38;
	[tilespmem:$0xD000] =	vst v63  }
0x11c: {  	s21 =	rddreg [dreg:$0xa]  }
0x11d: {  	s0 =	rddreg [dreg:$0xd]  }
0x11e: {  	p0 =	seq.s32 s0, $0x2A  }
.Ltmp5:
0x11f: {  	_ = 	snop;
	(pc) =	sbr.rel @p0 .LBB2_12-.Ltmp5, $1  }
0x120: {  	_ =	sdelay $0x3  }
0x121: {  	s0 =	simm.s32 $0x1  }
0x122: {  	_ =	swait.ge [sflag:s0], $0x4000  }
0x123: {  	[sflag:s0] =	ssyncset.done $0x0  }
0x124: {  	[sflag:s0] =	ssyncadd.s32 $0xFFFFC000  }
.LBB2_9:
0x125: {  	v0 =	vld [tilespmem:s21+$0x0]  }
0x126: {  	s2 =	simm.s32 $0x0;
	v1 =	vld [tilespmem:s21+$0xFFFFFFE0]  }
0x127: {  	s0 =	simm.s32 $0x30;
	v2 =	vld [tilespmem:s21+$0xFFFFFFF0];
	s1 =	sand.u32 $0x3C00, s2  }
0x128: {  	s4 =	simm.s32 $0x10;
	v3 =	vld [tilespmem:s21+$0xFFFFFFD0];
	s5 =	sand.u32 $0x70, s0;
	s3 =	sadd.s32 $0x9000, s1  }
0x129: {  	s9 =	simm.s32 $0x20;
	s0 =	sand.u32 $0x50, s4;
	s8 =	sor.u32 s5, s3  }
0x12a: {  	s7 =	sand.u32 $0x60, s9;
	s6 =	sor.u32 s0, s3;
	[tilespmem:s8+$0x0] =	vst v0  }
0x12b: {  	s10 =	sor.u32 s7, s3;
	[tilespmem:s6+$0x0] =	vst v1;
	s8 =	sand.u32 $0x40, s2;
	v0 =	vld [tilespmem:s21+$0xFFFFFFFF]  }
0x12c: {  	[tilespmem:s10+$0x0] =	vst v2;
	v1 =	vld [tilespmem:s21+$0xFFFFFFDF];
	s3 =	sor.u32 s8, s3  }
0x12d: {  	v2 =	vld [tilespmem:s21+$0xFFFFFFEF];
	[tilespmem:s3+$0x0] =	vst v3  }
0x12e: {  	s11 =	sadd.s32 $0x9080, s1;
	v3 =	vld [tilespmem:s21+$0xFFFFFFCF]  }
0x12f: {  	s12 =	sor.u32 s5, s11  }
0x130: {  	s13 =	sor.u32 s0, s11;
	[tilespmem:s12+$0x0] =	vst v0  }
0x131: {  	s14 =	sor.u32 s7, s11;
	[tilespmem:s13+$0x0] =	vst v1;
	v0 =	vld [tilespmem:s21+$0xFFFFFFFE]  }
0x132: {  	s2 =	sor.u32 s8, s11;
	[tilespmem:s14+$0x0] =	vst v2;
	v1 =	vld [tilespmem:s21+$0xFFFFFFDE]  }
0x133: {  	v2 =	vld [tilespmem:s21+$0xFFFFFFEE];
	[tilespmem:s2+$0x0] =	vst v3  }
0x134: {  	s15 =	sadd.s32 $0x9100, s1;
	v3 =	vld [tilespmem:s21+$0xFFFFFFCE]  }
0x135: {  	s16 =	sor.u32 s5, s15  }
0x136: {  	s17 =	sor.u32 s0, s15;
	[tilespmem:s16+$0x0] =	vst v0  }
0x137: {  	s23 =	sor.u32 s7, s15;
	[tilespmem:s17+$0x0] =	vst v1;
	v0 =	vld [tilespmem:s21+$0xFFFFFFFD]  }
0x138: {  	s3 =	sor.u32 s8, s15;
	[tilespmem:s23+$0x0] =	vst v2;
	v1 =	vld [tilespmem:s21+$0xFFFFFFDD]  }
0x139: {  	v2 =	vld [tilespmem:s21+$0xFFFFFFED];
	[tilespmem:s3+$0x0] =	vst v3  }
0x13a: {  	s24 =	sadd.s32 $0x9180, s1;
	v3 =	vld [tilespmem:s21+$0xFFFFFFCD]  }
0x13b: {  	s29 =	simm.s32 $0x200;
	s25 =	sor.u32 s5, s24;
	s23 =	sadd.s32 $0x40, s21  }
0x13c: {  	s9 =	sadd.s32 $0x9200, s1;
	s26 =	sor.u32 s0, s24;
	s6 =	sor.u32 s7, s24;
	v4 =	vld [tilespmem:s23+$0x0];
	[tilespmem:s25+$0x0] =	vst v0  }
0x13d: {  	s10 =	sor.u32 s5, s9;
	s11 =	sor.u32 s0, s9;
	s12 =	sor.u32 s8, s9;
	[tilespmem:s26+$0x0] =	vst v1;
	v0 =	vld [tilespmem:s21+$0xFFFFFFFC]  }
0x13e: {  	s13 =	simm.s32 $0x70;
	s2 =	sor.u32 s8, s24;
	s24 =	sand.u32 $0x3C00, s29;
	[tilespmem:s6+$0x0] =	vst v2;
	v1 =	vld [tilespmem:s21+$0xFFFFFFDC]  }
0x13f: {  	s3 =	sor.u32 s7, s9;
	s9 =	sadd.s32 $0x9000, s24;
	s25 =	sand.u32 $0x70, s13;
	v2 =	vld [tilespmem:s21+$0xFFFFFFEC];
	[tilespmem:s2+$0x0] =	vst v3  }
0x140: {  	s16 =	sor.u32 s25, s9;
	v3 =	vld [tilespmem:s21+$0xFFFFFFCC]  }
0x141: {  	v6 =	vld [tilespmem:s23+$0xFFFFFFD0];
	[tilespmem:s16+$0x0] =	vst v4  }
0x142: {  	v5 =	vld [tilespmem:s23+$0xFFFFFFE0];
	[tilespmem:s10+$0x0] =	vst v0  }
0x143: {  	s31 =	simm.s32 $0x40;
	[tilespmem:s11+$0x0] =	vst v1;
	v0 =	vld [tilespmem:s21+$0xFFFFFFFB]  }
0x144: {  	s30 =	sand.u32 $0x40, s31;
	[tilespmem:s3+$0x0] =	vst v2;
	v2 =	vld [tilespmem:s23+$0xFFFFFFF0];
	s10 =	simm.s32 $0x50  }
0x145: {  	v1 =	vld [tilespmem:s21+$0xFFFFFFDB];
	s26 =	sand.u32 $0x50, s10;
	s10 =	sor.u32 s30, s9;
	[tilespmem:s12+$0x0] =	vst v3  }
0x146: {  	s15 =	simm.s32 $0x60;
	s2 =	sadd.s32 $0x9280, s1;
	v4 =	vld [tilespmem:s23+$0xFFFFFFFF];
	s17 =	sor.u32 s26, s9;
	[tilespmem:s10+$0x0] =	vst v6  }
0x147: {  	s28 =	sand.u32 $0x60, s15;
	s14 =	sor.u32 s5, s2;
	v3 =	vld [tilespmem:s21+$0xFFFFFFCB];
	[tilespmem:s17+$0x0] =	vst v5  }
0x148: {  	s3 =	sor.u32 s28, s9;
	v5 =	vld [tilespmem:s23+$0xFFFFFFDF];
	[tilespmem:s14+$0x0] =	vst v0  }
0x149: {  	s13 =	sadd.s32 $0x9080, s24;
	s9 =	sor.u32 s0, s2;
	[tilespmem:s3+$0x0] =	vst v2;
	v0 =	vld [tilespmem:s21+$0xFFFFFFFA]  }
0x14a: {  	v2 =	vld [tilespmem:s23+$0xFFFFFFEF];
	s14 =	sor.u32 s25, s13;
	[tilespmem:s9+$0x0] =	vst v1  }
0x14b: {  	s12 =	sor.u32 s8, s2;
	v6 =	vld [tilespmem:s23+$0xFFFFFFCF];
	[tilespmem:s14+$0x0] =	vst v4  }
0x14c: {  	s15 =	sor.u32 s26, s13;
	s3 =	sadd.s32 $0x9300, s1;
	[tilespmem:s12+$0x0] =	vst v3;
	v4 =	vld [tilespmem:s23+$0xFFFFFFFE]  }
0x14d: {  	s11 =	sor.u32 s5, s3;
	v3 =	vld [tilespmem:s21+$0xFFFFFFEB];
	[tilespmem:s15+$0x0] =	vst v5  }
0x14e: {  	s16 =	sor.u32 s28, s13;
	v5 =	vld [tilespmem:s23+$0xFFFFFFDE];
	[tilespmem:s11+$0x0] =	vst v0  }
0x14f: {  	s10 =	sadd.s32 $0x9100, s24;
	s17 =	sor.u32 s30, s13;
	[tilespmem:s16+$0x0] =	vst v2;
	v0 =	vld [tilespmem:s21+$0xFFFFFFF9]  }
0x150: {  	[tilespmem:s17+$0x0] =	vst v6;
	v2 =	vld [tilespmem:s23+$0xFFFFFFEE];
	s11 =	sor.u32 s25, s10  }
0x151: {  	v6 =	vld [tilespmem:s23+$0xFFFFFFCE];
	s15 =	sor.u32 s7, s2;
	[tilespmem:s11+$0x0] =	vst v4  }
0x152: {  	s4 =	sadd.s32 $0x9380, s1;
	v7 =	vld [tilespmem:s21+$0xFFFFFFDA];
	s12 =	sor.u32 s26, s10;
	[tilespmem:s15+$0x0] =	vst v3  }
0x153: {  	s1 =	sor.u32 s5, s4;
	v1 =	vld [tilespmem:s23+$0xFFFFFFFD];
	[tilespmem:s12+$0x0] =	vst v5  }
0x154: {  	s13 =	sor.u32 s28, s10;
	[tilespmem:s1+$0x0] =	vst v0;
	v0 =	vld [tilespmem:s21+$0xFFFFFFCA]  }
0x155: {  	s14 =	sor.u32 s30, s10;
	v4 =	vld [tilespmem:s23+$0xFFFFFFDD];
	[tilespmem:s13+$0x0] =	vst v2  }
0x156: {  	s17 =	sadd.s32 $0x9180, s24;
	[tilespmem:s14+$0x0] =	vst v6;
	s12 =	sor.u32 s0, s3;
	v2 =	vld [tilespmem:s23+$0xFFFFFFED]  }
0x157: {  	s6 =	sor.u32 s25, s17;
	v5 =	vld [tilespmem:s23+$0xFFFFFFCD];
	[tilespmem:s12+$0x0] =	vst v7  }
0x158: {  	s16 =	sor.u32 s8, s3;
	v3 =	vld [tilespmem:s21+$0xFFFFFFD9];
	[tilespmem:s6+$0x0] =	vst v1  }
0x159: {  	s9 =	sor.u32 s26, s17;
	[tilespmem:s16+$0x0] =	vst v0;
	v0 =	vld [tilespmem:s21+$0xFFFFFFEA]  }
0x15a: {  	s10 =	sor.u32 s28, s17;
	v6 =	vld [tilespmem:s23+$0xFFFFFFFC];
	[tilespmem:s9+$0x0] =	vst v4  }
0x15b: {  	s11 =	sor.u32 s30, s17;
	v8 =	vld [tilespmem:s23+$0xFFFFFFDC];
	[tilespmem:s10+$0x0] =	vst v2  }
0x15c: {  	[tilespmem:s11+$0x0] =	vst v5;
	v9 =	vld [tilespmem:s23+$0xFFFFFFEC]  }
0x15d: {  	s14 =	sadd.s32 $0x9200, s24;
	s13 =	sor.u32 s7, s3;
	v4 =	vld [tilespmem:s23+$0xFFFFFFCC]  }
0x15e: {  	s5 =	simm.s32 $0x4;
	s15 =	sor.u32 s25, s14;
	v1 =	vld [tilespmem:s21+$0xFFFFFFC9];
	[tilespmem:s13+$0x0] =	vst v0  }
0x15f: {  	s17 =	sor.u32 s28, s14;
	s16 =	sor.u32 s26, s14;
	s1 =	rddreg [dreg:$0xe];
	[tilespmem:s15+$0x0] =	vst v6;
	v2 =	vld [tilespmem:s21+$0xFFFFFFE9]  }
0x160: {  	s7 =	sor.u32 s7, s4;
	s3 =	sor.u32 s30, s14;
	s9 =	sor.u32 s8, s4;
	[tilespmem:s16+$0x0] =	vst v8;
	v5 =	vld [tilespmem:s23+$0xFFFFFFFB]  }
0x161: {  	s8 =	sor.u32 s0, s4;
	s0 =	sadd.s32 $0x40, s23;
	[tilespmem:s17+$0x0] =	vst v9;
	s1 =	sadd.s32 $0x10, s1;
	v0 =	vld [tilespmem:s23+$0xFFFFFFDB]  }
.LBB2_10:
0x162: {  	v6 =	vld [tilespmem:s0+$0x0];
	s5 =	sadd.s32 $0x4, s5;
	[tilespmem:s3+$0x0] =	vst v4;
	s29 =	sadd.s32 $0x200, s29  }
0x163: {  	s2 =	sadd.s32 $0x9280, s24;
	s31 =	sadd.s32 $0x40, s31;
	v4 =	vld [tilespmem:s0+$0xFFFFFFE0];
	p0 =	slt.u32 s5, $0x7C;
	[tilespmem:s9+$0x0] =	vst v1  }
0x164: {  	s9 =	sand.u32 $0x3C00, s29;
	s3 =	sadd.s32 $0x30, s31;
	s4 =	sor.u32 s25, s2;
	v1 =	vld [tilespmem:s0+$0xFFFFFFF0];
	[tilespmem:s8+$0x0] =	vst v3  }
0x165: {  	s6 =	sadd.s32 $0x10, s31;
	s8 =	sadd.s32 $0x9000, s9;
	s14 =	sand.u32 $0x70, s3;
	v3 =	vld [tilespmem:s0+$0xFFFFFFD0];
	[tilespmem:s4+$0x0] =	vst v5  }
0x166: {  	s6 =	sand.u32 $0x50, s6;
	s3 =	sadd.s32 $0x20, s31;
	s4 =	sor.u32 s14, s8;
	v5 =	vld [tilespmem:s23+$0xFFFFFFFA];
	[tilespmem:s7+$0x0] =	vst v2  }
0x167: {  	s11 =	sand.u32 $0x40, s31;
	s10 =	sand.u32 $0x60, s3;
	s7 =	sor.u32 s6, s8;
	[tilespmem:s4+$0x0] =	vst v6;
	v2 =	vld [tilespmem:s23+$0xFFFFFFCB]  }
0x168: {  	s3 =	sor.u32 s11, s8;
	s4 =	sor.u32 s10, s8;
	[tilespmem:s7+$0x0] =	vst v4;
	v4 =	vld [tilespmem:s0+$0xFFFFFFFF];
	s7 =	sor.u32 s30, s2  }
0x169: {  	s15 =	sor.u32 s26, s2;
	s13 =	sor.u32 s28, s2;
	v6 =	vld [tilespmem:s0+$0xFFFFFFDF];
	[tilespmem:s4+$0x0] =	vst v1;
	s4 =	sadd.s32 $0x9300, s24  }
0x16a: {  	[tilespmem:s3+$0x0] =	vst v3;
	v1 =	vld [tilespmem:s0+$0xFFFFFFEF];
	s12 =	sor.u32 s30, s4;
	s3 =	sor.u32 s26, s4;
	s8 =	sor.u32 s25, s4  }
0x16b: {  	s16 =	sadd.s32 $0x9080, s9;
	s2 =	sor.u32 s28, s4;
	v3 =	vld [tilespmem:s0+$0xFFFFFFCF];
	[tilespmem:s8+$0x0] =	vst v5  }
0x16c: {  	s17 =	sor.u32 s14, s16;
	s4 =	sor.u32 s11, s16;
	s8 =	sor.u32 s6, s16;
	[tilespmem:s7+$0x0] =	vst v2;
	v2 =	vld [tilespmem:s23+$0xFFFFFFF9]  }
0x16d: {  	s7 =	sor.u32 s10, s16;
	[tilespmem:s17+$0x0] =	vst v4;
	v4 =	vld [tilespmem:s23+$0xFFFFFFEB]  }
0x16e: {  	[tilespmem:s8+$0x0] =	vst v6;
	v5 =	vld [tilespmem:s0+$0xFFFFFFFE]  }
0x16f: {  	v6 =	vld [tilespmem:s0+$0xFFFFFFDE];
	[tilespmem:s7+$0x0] =	vst v1;
	s7 =	sadd.s32 $0x9380, s24;
	s24 =	smov.u32 s9  }
0x170: {  	[tilespmem:s4+$0x0] =	vst v3;
	v1 =	vld [tilespmem:s0+$0xFFFFFFEE];
	s9 =	sor.u32 s30, s7;
	s8 =	sor.u32 s26, s7;
	s4 =	sor.u32 s25, s7  }
0x171: {  	s16 =	sadd.s32 $0x9100, s24;
	s7 =	sor.u32 s28, s7;
	s25 =	smov.u32 s14;
	v3 =	vld [tilespmem:s0+$0xFFFFFFCE];
	[tilespmem:s4+$0x0] =	vst v2  }
0x172: {  	s4 =	sor.u32 s11, s16;
	s14 =	sor.u32 s6, s16;
	s17 =	sor.u32 s25, s16;
	v2 =	vld [tilespmem:s23+$0xFFFFFFCA];
	[tilespmem:s15+$0x0] =	vst v0  }
0x173: {  	s26 =	smov.u32 s6;
	s30 =	smov.u32 s11;
	s15 =	sor.u32 s10, s16;
	[tilespmem:s17+$0x0] =	vst v5;
	v0 =	vld [tilespmem:s23+$0xFFFFFFDA]  }
0x174: {  	s28 =	smov.u32 s10;
	[tilespmem:s14+$0x0] =	vst v6;
	v5 =	vld [tilespmem:s0+$0xFFFFFFFD]  }
0x175: {  	v6 =	vld [tilespmem:s0+$0xFFFFFFDD];
	[tilespmem:s15+$0x0] =	vst v1  }
0x176: {  	[tilespmem:s4+$0x0] =	vst v3;
	v3 =	vld [tilespmem:s0+$0xFFFFFFED]  }
0x177: {  	s4 =	sadd.s32 $0x9180, s24;
	v7 =	vld [tilespmem:s0+$0xFFFFFFCD];
	[tilespmem:s13+$0x0] =	vst v4  }
0x178: {  	s6 =	sor.u32 s30, s4;
	s10 =	sor.u32 s26, s4;
	s11 =	sor.u32 s25, s4;
	[tilespmem:s12+$0x0] =	vst v2;
	v2 =	vld [tilespmem:s23+$0xFFFFFFEA]  }
0x179: {  	s4 =	sor.u32 s28, s4;
	[tilespmem:s11+$0x0] =	vst v5;
	v1 =	vld [tilespmem:s23+$0xFFFFFFC9]  }
0x17a: {  	[tilespmem:s10+$0x0] =	vst v6;
	v5 =	vld [tilespmem:s0+$0xFFFFFFFC]  }
0x17b: {  	v6 =	vld [tilespmem:s0+$0xFFFFFFDC];
	[tilespmem:s4+$0x0] =	vst v3  }
0x17c: {  	[tilespmem:s6+$0x0] =	vst v7;
	v7 =	vld [tilespmem:s0+$0xFFFFFFEC]  }
.Ltmp6:
0x17d: {  	s4 =	sadd.s32 $0x9200, s24;
	v4 =	vld [tilespmem:s0+$0xFFFFFFCC];
	[tilespmem:s3+$0x0] =	vst v0;
	(pc) =	sbr.rel @p0 .LBB2_10-.Ltmp6, $4  }
0x17e: {  	s6 =	sor.u32 s26, s4;
	s10 =	sor.u32 s25, s4;
	s3 =	sor.u32 s30, s4;
	v3 =	vld [tilespmem:s23+$0xFFFFFFD9];
	[tilespmem:s2+$0x0] =	vst v2  }
0x17f: {  	s2 =	sor.u32 s28, s4;
	[tilespmem:s10+$0x0] =	vst v5;
	v2 =	vld [tilespmem:s23+$0xFFFFFFE9];
	s23 =	smov.u32 s0  }
0x180: {  	[tilespmem:s6+$0x0] =	vst v6;
	v5 =	vld [tilespmem:s0+$0xFFFFFFFB]  }
0x181: {  	s0 =	sadd.s32 $0x40, s0;
	v0 =	vld [tilespmem:s23+$0xFFFFFFDB];
	[tilespmem:s2+$0x0] =	vst v7  }
0x182: {  	[tilespmem:s3+$0x0] =	vst v4;
	v6 =	vld [tilespmem:s23+$0xFFFFFFEB]  }
0x183: {  	s0 =	sadd.s32 $0x9280, s24;
	v4 =	vld [tilespmem:s23+$0xFFFFFFCB]  }
0x184: {  	s2 =	sor.u32 s25, s0  }
0x185: {  	s12 =	sor.u32 s26, s0;
	[tilespmem:s2+$0x0] =	vst v5  }
0x186: {  	s11 =	sor.u32 s30, s0;
	s0 =	sor.u32 s28, s0;
	v5 =	vld [tilespmem:s23+$0xFFFFFFFA];
	[tilespmem:s12+$0x0] =	vst v0  }
0x187: {  	v0 =	vld [tilespmem:s23+$0xFFFFFFDA];
	[tilespmem:s0+$0x0] =	vst v6  }
0x188: {  	[tilespmem:s11+$0x0] =	vst v4;
	v6 =	vld [tilespmem:s23+$0xFFFFFFEA]  }
0x189: {  	s13 =	sadd.s32 $0x9300, s24;
	v4 =	vld [tilespmem:s23+$0xFFFFFFCA]  }
0x18a: {  	[tilespmem:s9+$0x0] =	vst v1;
	s14 =	sor.u32 s25, s13  }
0x18b: {  	s16 =	sor.u32 s26, s13;
	[tilespmem:s14+$0x0] =	vst v5  }
0x18c: {  	s0 =	sor.u32 s28, s13;
	v62 =	vld [tilespmem:s23+$0xFFFFFFF9];
	[tilespmem:s16+$0x0] =	vst v0  }
0x18d: {  	s15 =	sor.u32 s30, s13;
	v0 =	vld [tilespmem:s23+$0xFFFFFFD9];
	[tilespmem:s0+$0x0] =	vst v6  }
0x18e: {  	[tilespmem:s15+$0x0] =	vst v4;
	v63 =	vld [tilespmem:s23+$0xFFFFFFE9]  }
0x18f: {  	s17 =	sadd.s32 $0x9380, s24;
	[tilespmem:s8+$0x0] =	vst v3;
	v4 =	vld [tilespmem:s23+$0xFFFFFFC9]  }
0x190: {  	s24 =	sor.u32 s25, s17;
	[tilespmem:s7+$0x0] =	vst v2  }
0x191: {  	s29 =	sor.u32 s26, s17;
	[tilespmem:s24+$0x0] =	vst v62  }
0x192: {  	s0 =	sor.u32 s28, s17;
	[tilespmem:s29+$0x0] =	vst v0  }
0x193: {  	s25 =	sor.u32 s30, s17;
	[tilespmem:s0+$0x0] =	vst v63  }
0x194: {  	[tilespmem:s25+$0x0] =	vst v4  }
0x195: {  	s11 =	rddreg [dreg:$0xd]  }
0x196: {  	s11 =	sadd.s32 $0x1, s11  }
0x197: {  	s1 =	sadd.s32 s20, s1;
	p0 =	sne.s32 s11, $0x2B  }
.Ltmp7:
0x198: {  	s1 =	sshll.u32 s1, $0x8;
	(pc) =	sbr.rel @p0 .LBB2_2-.Ltmp7, $4  }
.Ltmp8:
0x199: {  	s31 =	simm.s32 $0x9000;
	s30 =	sadd.s32 s18, s1;
	(pc) =	sbr.rel @!p0 .LBB2_12-.Ltmp8, $4  }
0x19a: {  	[hbm4b:s30+s19] =	stream.linear.scatter [tilespmem:s31], [sflag:$0x1], $0x4000, $0x38;
	[tilespmem:$0xD000] =	vst v63  }
0x19b: {  	s4 =	rddreg [dreg:$0xc]  }
0x19c: {  	s22 =	sadd.s32 $0xFFFFFFE8, s22;
	s21 =	sadd.s32 $0xFFFFFFE8, s21;
	s4 =	sadd.s32 $0xFFFFFFE8, s4  }
0x19d: {  	_ = 	snop  }
.LBB2_13:
0x19e: {  	_ =	sfence.sel $0x180000  }
0x19f: {  	[bflag:$0x0] =	sbarrier.arrive $0xFFFF  }
0x1a0: {  	_ =	strace $0x90000047  }
0x1a1: {  	s0 =	stileid.u32;
	[bflag:$0x2] =	sbarrier.arrive $0xFFFF  }
0x1a2: {  	p0 =	sne.s32 s0, $0x0;
	s0 =	rddreg [dreg:$0x2]  }
0x1a3: {  	s0 =	sadd.s32 @!p0 $0x100000, s0  }
0x1a4: {  	[sflag:s0] =	ssyncadd.tile.s32 @!p0 $0x1;
	_ =	shalt  }
.Lfunc_end2:
_tile_overlayer_lowered:
.L_overlay_start_2:
0x1a5: {  	(tag) =	ssettag $0x2  }
0x1a6: {  	s0 =	rddreg [dreg:$0x0];
	s2 =	stileid.u32  }
0x1a7: {  	s1 =	rddreg [dreg:$0x1];
	p0 =	sne.s32 s2, $0x0  }
0x1a8: {  	s3 =	rddreg [dreg:$0x2];
	[bflag:$0x3] =	sbarrier.arrive $0xFFFF;
	s2 =	simm.s32 @!p0 $0x1C02  }
0x1a9: {  	[timem:s3], [sflag:s2] =	dma.local @!p0 [hbm:s0], s1  }
0x1aa: {  	s0 =	simm.s32 @!p0 $0x2  }
0x1ab: {  	_ =	swait.ge @!p0 [sflag:s0], s1  }
0x1ac: {  	s1 =	ssub.s32 @!p0 $0x0, s1;
	[sflag:s0] =	ssyncset.done @!p0 $0x0  }
0x1ad: {  	[sflag:s0] =	ssyncadd.s32 @!p0 s1  }
0x1ae: {  	[bflag:$0x3] =	sbarrier.arrive $0xFFFF  }
0x1af: {  	_ =	shalt  }

</sc_bundles>
